<compile_context>
chip_gen: v7x
topology: tpu7x:2x2x1
jax: 0.10.2.dev20260603
libtpu: 0.0.44.dev20260713+nightly
codegen_flags: <defaults>
</compile_context>

<pallas_src>
import functools

import jax
import jax.numpy as jnp
from jax import lax
from jax.experimental import pallas as pl
from jax.experimental.pallas import tpu as pltpu
from jax.experimental.pallas import tpu_sc as plsc

_NC = 2
_NS = 16
_NW = _NC * _NS
_LANES = 16

_BM = 512

_K = 16
_D = 10
_P = 20


def _enc_body(xt_ref, w1_ref, b1_ref, w2_ref, b2_ref, wq_ref, hq_ref,
              h2t_ref, sct_ref):
    hi = jax.lax.Precision.HIGHEST
    de = jax.lax.Precision.DEFAULT
    h1t = jnp.maximum(
        jnp.dot(w1_ref[...], xt_ref[...], preferred_element_type=jnp.float32,
                precision=de) + b1_ref[...], 0.0)
    h2t = jnp.dot(w2_ref[...], h1t, preferred_element_type=jnp.float32,
                  precision=de) + b2_ref[...]
    h2t_ref[...] = h2t
    sc = jnp.dot(wq_ref[...], h2t, preferred_element_type=jnp.float32,
                 precision=hi) - hq_ref[...]
    sct_ref[0] = sc


def _dec_body(zqc_ref, w3_ref, b3_ref, w4_ref, b4_ref, rt_ref, zqt_ref):
    de = jax.lax.Precision.DEFAULT
    zqt = zqc_ref[0]
    h3t = jnp.maximum(
        jnp.dot(w3_ref[...], zqt, preferred_element_type=jnp.float32,
                precision=de) + b3_ref[...], 0.0)
    rt_ref[...] = jax.nn.sigmoid(
        jnp.dot(w4_ref[...], h3t, preferred_element_type=jnp.float32,
                precision=de) + b4_ref[...])
    zqt_ref[...] = zqt


def _vq_sc_body(sct_hbm, embt_hbm, zqc_hbm, in_v, emb_v, out_v):
    cid = lax.axis_index("c")
    sid = lax.axis_index("s")
    wid = sid * _NC + cid
    pltpu.sync_copy(embt_hbm, emb_v)
    n_grp = _BM // _LANES

    def grp(p, g, _):
        b0 = g * _LANES
        best = in_v[0, pl.ds(b0, _LANES)]
        bidx = jnp.zeros((_LANES,), jnp.int32)
        for k in range(1, _K):
            col = in_v[k, pl.ds(b0, _LANES)]
            m = col > best
            best = jnp.where(m, col, best)
            bidx = jnp.where(m, jnp.full((_LANES,), k, jnp.int32), bidx)
        ob = bidx * _D
        for d in range(_D):
            val = plsc.load_gather(emb_v, [ob + d])
            out_v[_P * d + p, pl.ds(b0, _LANES)] = val
        return _

    def pchunk(p, carry):
        pltpu.sync_copy(sct_hbm.at[wid, pl.ds(_K * p, _K), :], in_v)
        lax.fori_loop(0, n_grp, functools.partial(grp, p), 0)
        return carry

    lax.fori_loop(0, _P, pchunk, 0)
    pltpu.sync_copy(out_v, zqc_hbm.at[wid])


def kernel(x, fc1_w, fc1_b, fc2_w, fc2_b, fc3_w, fc3_b, fc4_w, fc4_b, emb):
    B = x.shape[0]
    f32 = jnp.float32
    n_bm = B // _BM

    xt = x.T
    b1c = fc1_b.reshape(-1, 1)
    b2c = fc2_b.reshape(-1, 1)
    b3c = fc3_b.reshape(-1, 1)
    b4c = fc4_b.reshape(-1, 1)
    eye_p = jnp.eye(_P, dtype=f32)
    wqt = (emb.T[None, :, :, None] * eye_p[:, None, None, :]).reshape(
        _P * _K, _D * _P)
    hqc = jnp.tile(0.5 * jnp.sum(emb * emb, axis=0), _P).reshape(_P * _K, 1)
    embt_flat = emb.T.reshape(-1)

    h2t, sct = pl.pallas_call(
        _enc_body,
        grid=(n_bm,),
        in_specs=[
            pl.BlockSpec((784, _BM), lambda i: (0, i)),
            pl.BlockSpec((400, 784), lambda i: (0, 0)),
            pl.BlockSpec((400, 1), lambda i: (0, 0)),
            pl.BlockSpec((200, 400), lambda i: (0, 0)),
            pl.BlockSpec((200, 1), lambda i: (0, 0)),
            pl.BlockSpec((_P * _K, 200), lambda i: (0, 0)),
            pl.BlockSpec((_P * _K, 1), lambda i: (0, 0)),
        ],
        out_specs=[
            pl.BlockSpec((200, _BM), lambda i: (0, i)),
            pl.BlockSpec((1, _P * _K, _BM), lambda i: (i, 0, 0)),
        ],
        out_shape=[
            jax.ShapeDtypeStruct((200, B), f32),
            jax.ShapeDtypeStruct((n_bm, _P * _K, _BM), f32),
        ],
    )(xt, fc1_w, b1c, fc2_w, b2c, wqt, hqc)

    mesh = plsc.VectorSubcoreMesh(core_axis_name="c", subcore_axis_name="s",
                                  num_cores=_NC, num_subcores=_NS)
    zqc = pl.kernel(
        _vq_sc_body,
        out_type=jax.ShapeDtypeStruct((n_bm, _D * _P, _BM), f32),
        mesh=mesh,
        compiler_params=pltpu.CompilerParams(needs_layout_passes=False),
        scratch_types=[
            pltpu.VMEM((_K, _BM), f32),
            pltpu.VMEM((_K * _D,), f32),
            pltpu.VMEM((_D * _P, _BM), f32),
        ],
    )(sct, embt_flat)

    recont, zqt = pl.pallas_call(
        _dec_body,
        grid=(n_bm,),
        in_specs=[
            pl.BlockSpec((1, 200, _BM), lambda i: (i, 0, 0)),
            pl.BlockSpec((400, 200), lambda i: (0, 0)),
            pl.BlockSpec((400, 1), lambda i: (0, 0)),
            pl.BlockSpec((784, 400), lambda i: (0, 0)),
            pl.BlockSpec((784, 1), lambda i: (0, 0)),
        ],
        out_specs=[
            pl.BlockSpec((784, _BM), lambda i: (0, i)),
            pl.BlockSpec((200, _BM), lambda i: (0, i)),
        ],
        out_shape=[
            jax.ShapeDtypeStruct((784, B), f32),
            jax.ShapeDtypeStruct((200, B), f32),
        ],
    )(zqc, fc3_w, b3c, fc4_w, b4c)

    recon = recont.T
    z_q = zqt.T
    z_e = h2t.reshape(_D, _P, B).transpose(2, 0, 1)
    return recon, z_e, z_q

# --- scband reference (transcript-rebuilt; emitter-appended) ---
"""Pipeline reference for scband-vq-vae-87557203296354 (READ-ONLY COPY).

The authoritative reference and input builder live on the scoring server;
editing this copy changes nothing except your own understanding.
"""

import jax, jax.numpy as jnp
import numpy as np


def _linear_params(key, out_f, in_f):
    bound = 1.0 / np.sqrt(in_f)
    kw, kb = jax.random.split(key)
    w = jax.random.uniform(kw, (out_f, in_f), minval=-bound, maxval=bound, dtype=jnp.float32)
    b = jax.random.uniform(kb, (out_f,), minval=-bound, maxval=bound, dtype=jnp.float32)
    return w, b


def setup_inputs(seed: int = 0) -> dict:
    key = jax.random.key(seed)
    ks = jax.random.split(key, 6)
    B = 16384
    x = jax.random.uniform(ks[0], (B, 784), dtype=jnp.float32)
    fc1_w, fc1_b = _linear_params(ks[1], 400, 784)
    fc2_w, fc2_b = _linear_params(ks[2], 200, 400)
    fc3_w, fc3_b = _linear_params(ks[3], 400, 200)
    fc4_w, fc4_b = _linear_params(ks[4], 784, 400)
    # NearestEmbed(16, 10): weight shape (emb_dim=10, n_codes=16)
    emb = jax.random.normal(ks[5], (10, 16), dtype=jnp.float32)
    return {"x": x, "fc1_w": fc1_w, "fc1_b": fc1_b, "fc2_w": fc2_w, "fc2_b": fc2_b,
            "fc3_w": fc3_w, "fc3_b": fc3_b, "fc4_w": fc4_w, "fc4_b": fc4_b, "emb": emb}


def _nearest_embed(z_e, emb):
    # z_e: [B, D=10, P=20]; emb: [D, K=16]
    B, D, P = z_e.shape
    zf = jnp.transpose(z_e, (0, 2, 1)).reshape(-1, D)  # [B*P, D]
    codes = emb.T  # [K, D]
    d = jnp.sum((zf[:, None, :] - jax.lax.stop_gradient(codes)[None, :, :]) ** 2, axis=-1)
    idx = jnp.argmin(d, axis=1)  # [B*P]
    sel = jnp.take(codes, idx, axis=0)  # gather -> [B*P, D]
    sel = jnp.transpose(sel.reshape(B, P, D), (0, 2, 1))  # [B, D, P]
    # straight-through estimator: value == sel, grad passes to z_e; emb grad via gather vjp
    return z_e + sel - jax.lax.stop_gradient(z_e)


def reference(x, fc1_w, fc1_b, fc2_w, fc2_b, fc3_w, fc3_b, fc4_w, fc4_b, emb):
    xv = x.reshape(-1, 784)
    h1 = jax.nn.relu(xv @ fc1_w.T + fc1_b)
    h2 = h1 @ fc2_w.T + fc2_b
    z_e = h2.reshape(-1, 10, 20)
    z_q = _nearest_embed(z_e, emb).reshape(-1, 200)
    h3 = jax.nn.relu(z_q @ fc3_w.T + fc3_b)
    recon = jax.nn.sigmoid(h3 @ fc4_w.T + fc4_b)
    return recon, z_e, z_q

if __name__ == "__main__":
    import jax
    _d = setup_inputs()
    print(jax.jit(kernel)(*tuple(_d.values())))

</pallas_src>

<mosaic_0001>
#map = affine_map<(d0, d1) -> (0, 0, 0)>
#map1 = affine_map<(d0, d1) -> (0)>
module attributes {stable_mosaic.version = 14 : i64} {
  func.func @_vq_sc_body(%arg0: i32, %arg1: i32, %arg2: memref<32x320x512xf32, #tpu.memory_space<hbm>>, %arg3: memref<160xf32, #tpu.memory_space<hbm>>, %arg4: memref<32x200x512xf32, #tpu.memory_space<hbm>>, %arg5: memref<16x512xf32, #tpu.memory_space<vmem>>, %arg6: memref<160xf32, #tpu.memory_space<vmem>>, %arg7: memref<200x512xf32, #tpu.memory_space<vmem>>) attributes {dimension_semantics = [#tpu.dimension_semantics<core_parallel>, #tpu.dimension_semantics<subcore_parallel>], iteration_bounds = array<i64: 2, 16>, scalar_prefetch = 0 : i64, scratch_operands = 3 : i64, tpu.core_type = #tpu.core_type<sc_vector_subcore>, window_params = [{transform_indices = #map}, {transform_indices = #map1}, {transform_indices = #map}]} {
    %mul3A = arith.constant 2 : i32
    %mul3A_0 = arith.muli %arg1, %mul3A : i32
    %add3A = arith.addi %mul3A_0, %arg0 : i32
    "tpu.region"() ({
      %run_scoped3A = tpu.sem_alloc : memref<!tpu.dma_semaphore, #tpu.memory_space<semaphore_mem>>
      tpu.enqueue_dma source(%arg3 : memref<160xf32, #tpu.memory_space<hbm>>) target(%arg6 : memref<160xf32, #tpu.memory_space<vmem>>) target_semaphore(%run_scoped3A : memref<!tpu.dma_semaphore, #tpu.memory_space<semaphore_mem>>)
      tpu.wait_dma2 semaphore(%run_scoped3A : memref<!tpu.dma_semaphore, #tpu.memory_space<semaphore_mem>>) src(%arg3 : memref<160xf32, #tpu.memory_space<hbm>>) dst(%arg6 : memref<160xf32, #tpu.memory_space<vmem>>)
      tpu.yield
    }) : () -> ()
    %scan3A = arith.constant 0 : i32
    %scan3A_1 = arith.constant 0 : i32
    %scan3A_2 = arith.constant 20 : i32
    %scan3A_3 = arith.addi %scan3A_1, %scan3A_2 : i32
    %scan3A_4 = arith.constant 1 : i32
    scf.for %scan3A_6 = %scan3A_1 to %scan3A_3 step %scan3A_4  : i32 {
      %mul3A_7 = arith.constant 16 : i32
      %mul3A_8 = arith.muli %mul3A_7, %scan3A_6 : i32
      "tpu.region"() ({
        %run_scoped3A = tpu.sem_alloc : memref<!tpu.dma_semaphore, #tpu.memory_space<semaphore_mem>>
        %dma_start3A = arith.constant 0 : i32
        %dma_start3A_15 = tpu.memref_slice %arg2[%add3A, %mul3A_8, %dma_start3A] : memref<32x320x512xf32, #tpu.memory_space<hbm>> -> memref<1x16x512xf32, #tpu.memory_space<hbm>>
        %dma_start3A_16 = tpu.memref_squeeze %dma_start3A_15 : memref<1x16x512xf32, #tpu.memory_space<hbm>> -> memref<16x512xf32, #tpu.memory_space<hbm>>
        %dma_start3A_17 = arith.constant 0 : i32
        %dma_start3A_18 = tpu.memref_slice %arg2[%add3A, %mul3A_8, %dma_start3A_17] : memref<32x320x512xf32, #tpu.memory_space<hbm>> -> memref<1x16x512xf32, #tpu.memory_space<hbm>>
        %dma_start3A_19 = tpu.memref_squeeze %dma_start3A_18 : memref<1x16x512xf32, #tpu.memory_space<hbm>> -> memref<16x512xf32, #tpu.memory_space<hbm>>
        tpu.enqueue_dma source(%dma_start3A_19 : memref<16x512xf32, #tpu.memory_space<hbm>>) target(%arg5 : memref<16x512xf32, #tpu.memory_space<vmem>>) target_semaphore(%run_scoped3A : memref<!tpu.dma_semaphore, #tpu.memory_space<semaphore_mem>>)
        %dma_wait3A = arith.constant 0 : i32
        %dma_wait3A_20 = tpu.memref_slice %arg2[%add3A, %mul3A_8, %dma_wait3A] : memref<32x320x512xf32, #tpu.memory_space<hbm>> -> memref<1x16x512xf32, #tpu.memory_space<hbm>>
        %dma_wait3A_21 = tpu.memref_squeeze %dma_wait3A_20 : memref<1x16x512xf32, #tpu.memory_space<hbm>> -> memref<16x512xf32, #tpu.memory_space<hbm>>
        %dma_wait3A_22 = arith.constant 0 : i32
        %dma_wait3A_23 = tpu.memref_slice %arg2[%add3A, %mul3A_8, %dma_wait3A_22] : memref<32x320x512xf32, #tpu.memory_space<hbm>> -> memref<1x16x512xf32, #tpu.memory_space<hbm>>
        %dma_wait3A_24 = tpu.memref_squeeze %dma_wait3A_23 : memref<1x16x512xf32, #tpu.memory_space<hbm>> -> memref<16x512xf32, #tpu.memory_space<hbm>>
        tpu.wait_dma2 semaphore(%run_scoped3A : memref<!tpu.dma_semaphore, #tpu.memory_space<semaphore_mem>>) src(%dma_wait3A_24 : memref<16x512xf32, #tpu.memory_space<hbm>>) dst(%arg5 : memref<16x512xf32, #tpu.memory_space<vmem>>)
        tpu.yield
      }) : () -> ()
      %scan3A_9 = arith.constant 0 : i32
      %scan3A_10 = arith.constant 0 : i32
      %scan3A_11 = arith.constant 32 : i32
      %scan3A_12 = arith.addi %scan3A_10, %scan3A_11 : i32
      %scan3A_13 = arith.constant 1 : i32
      scf.for %scan3A_15 = %scan3A_10 to %scan3A_12 step %scan3A_13  : i32 {
        %mul3A_16 = arith.constant 16 : i32
        %mul3A_17 = arith.muli %scan3A_15, %mul3A_16 : i32
        %get3A = arith.constant 0 : i32
        %get3A_18 = arith.index_cast %get3A : i32 to index
        %get3A_19 = arith.index_cast %mul3A_17 : i32 to index
        %get3A_20 = tpu.vector_load %arg5[%get3A_18, %get3A_19] {strides = array<i32>} : memref<16x512xf32, #tpu.memory_space<vmem>>, vector<16xf32>,
        %broadcast_in_dim3A = arith.constant 0 : i32
        %broadcast_in_dim3A_21 = vector.broadcast %broadcast_in_dim3A : i32 to vector<16xi32>
        %get3A_22 = arith.constant 1 : i32
        %get3A_23 = arith.index_cast %get3A_22 : i32 to index
        %get3A_24 = arith.index_cast %mul3A_17 : i32 to index
        %get3A_25 = tpu.vector_load %arg5[%get3A_23, %get3A_24] {strides = array<i32>} : memref<16x512xf32, #tpu.memory_space<vmem>>, vector<16xf32>,
        %gt3A = arith.cmpf ogt, %get3A_25, %get3A_20 : vector<16xf32>
        %select_n3A = arith.select %gt3A, %get3A_25, %get3A_20 : vector<16xi1>, vector<16xf32>
        %broadcast_in_dim3A_26 = arith.constant 1 : i32
        %broadcast_in_dim3A_27 = vector.broadcast %broadcast_in_dim3A_26 : i32 to vector<16xi32>
        %select_n3A_28 = arith.select %gt3A, %broadcast_in_dim3A_27, %broadcast_in_dim3A_21 : vector<16xi1>, vector<16xi32>
        %get3A_29 = arith.constant 2 : i32
        %get3A_30 = arith.index_cast %get3A_29 : i32 to index
        %get3A_31 = arith.index_cast %mul3A_17 : i32 to index
        %get3A_32 = tpu.vector_load %arg5[%get3A_30, %get3A_31] {strides = array<i32>} : memref<16x512xf32, #tpu.memory_space<vmem>>, vector<16xf32>,
        %gt3A_33 = arith.cmpf ogt, %get3A_32, %select_n3A : vector<16xf32>
        %select_n3A_34 = arith.select %gt3A_33, %get3A_32, %select_n3A : vector<16xi1>, vector<16xf32>
        %broadcast_in_dim3A_35 = arith.constant 2 : i32
        %broadcast_in_dim3A_36 = vector.broadcast %broadcast_in_dim3A_35 : i32 to vector<16xi32>
        %select_n3A_37 = arith.select %gt3A_33, %broadcast_in_dim3A_36, %select_n3A_28 : vector<16xi1>, vector<16xi32>
        %get3A_38 = arith.constant 3 : i32
        %get3A_39 = arith.index_cast %get3A_38 : i32 to index
        %get3A_40 = arith.index_cast %mul3A_17 : i32 to index
        %get3A_41 = tpu.vector_load %arg5[%get3A_39, %get3A_40] {strides = array<i32>} : memref<16x512xf32, #tpu.memory_space<vmem>>, vector<16xf32>,
        %gt3A_42 = arith.cmpf ogt, %get3A_41, %select_n3A_34 : vector<16xf32>
        %select_n3A_43 = arith.select %gt3A_42, %get3A_41, %select_n3A_34 : vector<16xi1>, vector<16xf32>
        %broadcast_in_dim3A_44 = arith.constant 3 : i32
        %broadcast_in_dim3A_45 = vector.broadcast %broadcast_in_dim3A_44 : i32 to vector<16xi32>
        %select_n3A_46 = arith.select %gt3A_42, %broadcast_in_dim3A_45, %select_n3A_37 : vector<16xi1>, vector<16xi32>
        %get3A_47 = arith.constant 4 : i32
        %get3A_48 = arith.index_cast %get3A_47 : i32 to index
        %get3A_49 = arith.index_cast %mul3A_17 : i32 to index
        %get3A_50 = tpu.vector_load %arg5[%get3A_48, %get3A_49] {strides = array<i32>} : memref<16x512xf32, #tpu.memory_space<vmem>>, vector<16xf32>,
        %gt3A_51 = arith.cmpf ogt, %get3A_50, %select_n3A_43 : vector<16xf32>
        %select_n3A_52 = arith.select %gt3A_51, %get3A_50, %select_n3A_43 : vector<16xi1>, vector<16xf32>
        %broadcast_in_dim3A_53 = arith.constant 4 : i32
        %broadcast_in_dim3A_54 = vector.broadcast %broadcast_in_dim3A_53 : i32 to vector<16xi32>
        %select_n3A_55 = arith.select %gt3A_51, %broadcast_in_dim3A_54, %select_n3A_46 : vector<16xi1>, vector<16xi32>
        %get3A_56 = arith.constant 5 : i32
        %get3A_57 = arith.index_cast %get3A_56 : i32 to index
        %get3A_58 = arith.index_cast %mul3A_17 : i32 to index
        %get3A_59 = tpu.vector_load %arg5[%get3A_57, %get3A_58] {strides = array<i32>} : memref<16x512xf32, #tpu.memory_space<vmem>>, vector<16xf32>,
        %gt3A_60 = arith.cmpf ogt, %get3A_59, %select_n3A_52 : vector<16xf32>
        %select_n3A_61 = arith.select %gt3A_60, %get3A_59, %select_n3A_52 : vector<16xi1>, vector<16xf32>
        %broadcast_in_dim3A_62 = arith.constant 5 : i32
        %broadcast_in_dim3A_63 = vector.broadcast %broadcast_in_dim3A_62 : i32 to vector<16xi32>
        %select_n3A_64 = arith.select %gt3A_60, %broadcast_in_dim3A_63, %select_n3A_55 : vector<16xi1>, vector<16xi32>
        %get3A_65 = arith.constant 6 : i32
        %get3A_66 = arith.index_cast %get3A_65 : i32 to index
        %get3A_67 = arith.index_cast %mul3A_17 : i32 to index
        %get3A_68 = tpu.vector_load %arg5[%get3A_66, %get3A_67] {strides = array<i32>} : memref<16x512xf32, #tpu.memory_space<vmem>>, vector<16xf32>,
        %gt3A_69 = arith.cmpf ogt, %get3A_68, %select_n3A_61 : vector<16xf32>
        %select_n3A_70 = arith.select %gt3A_69, %get3A_68, %select_n3A_61 : vector<16xi1>, vector<16xf32>
        %broadcast_in_dim3A_71 = arith.constant 6 : i32
        %broadcast_in_dim3A_72 = vector.broadcast %broadcast_in_dim3A_71 : i32 to vector<16xi32>
        %select_n3A_73 = arith.select %gt3A_69, %broadcast_in_dim3A_72, %select_n3A_64 : vector<16xi1>, vector<16xi32>
        %get3A_74 = arith.constant 7 : i32
        %get3A_75 = arith.index_cast %get3A_74 : i32 to index
        %get3A_76 = arith.index_cast %mul3A_17 : i32 to index
        %get3A_77 = tpu.vector_load %arg5[%get3A_75, %get3A_76] {strides = array<i32>} : memref<16x512xf32, #tpu.memory_space<vmem>>, vector<16xf32>,
        %gt3A_78 = arith.cmpf ogt, %get3A_77, %select_n3A_70 : vector<16xf32>
        %select_n3A_79 = arith.select %gt3A_78, %get3A_77, %select_n3A_70 : vector<16xi1>, vector<16xf32>
        %broadcast_in_dim3A_80 = arith.constant 7 : i32
        %broadcast_in_dim3A_81 = vector.broadcast %broadcast_in_dim3A_80 : i32 to vector<16xi32>
        %select_n3A_82 = arith.select %gt3A_78, %broadcast_in_dim3A_81, %select_n3A_73 : vector<16xi1>, vector<16xi32>
        %get3A_83 = arith.constant 8 : i32
        %get3A_84 = arith.index_cast %get3A_83 : i32 to index
        %get3A_85 = arith.index_cast %mul3A_17 : i32 to index
        %get3A_86 = tpu.vector_load %arg5[%get3A_84, %get3A_85] {strides = array<i32>} : memref<16x512xf32, #tpu.memory_space<vmem>>, vector<16xf32>,
        %gt3A_87 = arith.cmpf ogt, %get3A_86, %select_n3A_79 : vector<16xf32>
        %select_n3A_88 = arith.select %gt3A_87, %get3A_86, %select_n3A_79 : vector<16xi1>, vector<16xf32>
        %broadcast_in_dim3A_89 = arith.constant 8 : i32
        %broadcast_in_dim3A_90 = vector.broadcast %broadcast_in_dim3A_89 : i32 to vector<16xi32>
        %select_n3A_91 = arith.select %gt3A_87, %broadcast_in_dim3A_90, %select_n3A_82 : vector<16xi1>, vector<16xi32>
        %get3A_92 = arith.constant 9 : i32
        %get3A_93 = arith.index_cast %get3A_92 : i32 to index
        %get3A_94 = arith.index_cast %mul3A_17 : i32 to index
        %get3A_95 = tpu.vector_load %arg5[%get3A_93, %get3A_94] {strides = array<i32>} : memref<16x512xf32, #tpu.memory_space<vmem>>, vector<16xf32>,
        %gt3A_96 = arith.cmpf ogt, %get3A_95, %select_n3A_88 : vector<16xf32>
        %select_n3A_97 = arith.select %gt3A_96, %get3A_95, %select_n3A_88 : vector<16xi1>, vector<16xf32>
        %broadcast_in_dim3A_98 = arith.constant 9 : i32
        %broadcast_in_dim3A_99 = vector.broadcast %broadcast_in_dim3A_98 : i32 to vector<16xi32>
        %select_n3A_100 = arith.select %gt3A_96, %broadcast_in_dim3A_99, %select_n3A_91 : vector<16xi1>, vector<16xi32>
        %get3A_101 = arith.constant 10 : i32
        %get3A_102 = arith.index_cast %get3A_101 : i32 to index
        %get3A_103 = arith.index_cast %mul3A_17 : i32 to index
        %get3A_104 = tpu.vector_load %arg5[%get3A_102, %get3A_103] {strides = array<i32>} : memref<16x512xf32, #tpu.memory_space<vmem>>, vector<16xf32>,
        %gt3A_105 = arith.cmpf ogt, %get3A_104, %select_n3A_97 : vector<16xf32>
        %select_n3A_106 = arith.select %gt3A_105, %get3A_104, %select_n3A_97 : vector<16xi1>, vector<16xf32>
        %broadcast_in_dim3A_107 = arith.constant 10 : i32
        %broadcast_in_dim3A_108 = vector.broadcast %broadcast_in_dim3A_107 : i32 to vector<16xi32>
        %select_n3A_109 = arith.select %gt3A_105, %broadcast_in_dim3A_108, %select_n3A_100 : vector<16xi1>, vector<16xi32>
        %get3A_110 = arith.constant 11 : i32
        %get3A_111 = arith.index_cast %get3A_110 : i32 to index
        %get3A_112 = arith.index_cast %mul3A_17 : i32 to index
        %get3A_113 = tpu.vector_load %arg5[%get3A_111, %get3A_112] {strides = array<i32>} : memref<16x512xf32, #tpu.memory_space<vmem>>, vector<16xf32>,
        %gt3A_114 = arith.cmpf ogt, %get3A_113, %select_n3A_106 : vector<16xf32>
        %select_n3A_115 = arith.select %gt3A_114, %get3A_113, %select_n3A_106 : vector<16xi1>, vector<16xf32>
        %broadcast_in_dim3A_116 = arith.constant 11 : i32
        %broadcast_in_dim3A_117 = vector.broadcast %broadcast_in_dim3A_116 : i32 to vector<16xi32>
        %select_n3A_118 = arith.select %gt3A_114, %broadcast_in_dim3A_117, %select_n3A_109 : vector<16xi1>, vector<16xi32>
        %get3A_119 = arith.constant 12 : i32
        %get3A_120 = arith.index_cast %get3A_119 : i32 to index
        %get3A_121 = arith.index_cast %mul3A_17 : i32 to index
        %get3A_122 = tpu.vector_load %arg5[%get3A_120, %get3A_121] {strides = array<i32>} : memref<16x512xf32, #tpu.memory_space<vmem>>, vector<16xf32>,
        %gt3A_123 = arith.cmpf ogt, %get3A_122, %select_n3A_115 : vector<16xf32>
        %select_n3A_124 = arith.select %gt3A_123, %get3A_122, %select_n3A_115 : vector<16xi1>, vector<16xf32>
        %broadcast_in_dim3A_125 = arith.constant 12 : i32
        %broadcast_in_dim3A_126 = vector.broadcast %broadcast_in_dim3A_125 : i32 to vector<16xi32>
        %select_n3A_127 = arith.select %gt3A_123, %broadcast_in_dim3A_126, %select_n3A_118 : vector<16xi1>, vector<16xi32>
        %get3A_128 = arith.constant 13 : i32
        %get3A_129 = arith.index_cast %get3A_128 : i32 to index
        %get3A_130 = arith.index_cast %mul3A_17 : i32 to index
        %get3A_131 = tpu.vector_load %arg5[%get3A_129, %get3A_130] {strides = array<i32>} : memref<16x512xf32, #tpu.memory_space<vmem>>, vector<16xf32>,
        %gt3A_132 = arith.cmpf ogt, %get3A_131, %select_n3A_124 : vector<16xf32>
        %select_n3A_133 = arith.select %gt3A_132, %get3A_131, %select_n3A_124 : vector<16xi1>, vector<16xf32>
        %broadcast_in_dim3A_134 = arith.constant 13 : i32
        %broadcast_in_dim3A_135 = vector.broadcast %broadcast_in_dim3A_134 : i32 to vector<16xi32>
        %select_n3A_136 = arith.select %gt3A_132, %broadcast_in_dim3A_135, %select_n3A_127 : vector<16xi1>, vector<16xi32>
        %get3A_137 = arith.constant 14 : i32
        %get3A_138 = arith.index_cast %get3A_137 : i32 to index
        %get3A_139 = arith.index_cast %mul3A_17 : i32 to index
        %get3A_140 = tpu.vector_load %arg5[%get3A_138, %get3A_139] {strides = array<i32>} : memref<16x512xf32, #tpu.memory_space<vmem>>, vector<16xf32>,
        %gt3A_141 = arith.cmpf ogt, %get3A_140, %select_n3A_133 : vector<16xf32>
        %select_n3A_142 = arith.select %gt3A_141, %get3A_140, %select_n3A_133 : vector<16xi1>, vector<16xf32>
        %broadcast_in_dim3A_143 = arith.constant 14 : i32
        %broadcast_in_dim3A_144 = vector.broadcast %broadcast_in_dim3A_143 : i32 to vector<16xi32>
        %select_n3A_145 = arith.select %gt3A_141, %broadcast_in_dim3A_144, %select_n3A_136 : vector<16xi1>, vector<16xi32>
        %get3A_146 = arith.constant 15 : i32
        %get3A_147 = arith.index_cast %get3A_146 : i32 to index
        %get3A_148 = arith.index_cast %mul3A_17 : i32 to index
        %get3A_149 = tpu.vector_load %arg5[%get3A_147, %get3A_148] {strides = array<i32>} : memref<16x512xf32, #tpu.memory_space<vmem>>, vector<16xf32>,
        %gt3A_150 = arith.cmpf ogt, %get3A_149, %select_n3A_142 : vector<16xf32>
        %select_n3A_151 = arith.select %gt3A_150, %get3A_149, %select_n3A_142 : vector<16xi1>, vector<16xf32>
        %broadcast_in_dim3A_152 = arith.constant 15 : i32
        %broadcast_in_dim3A_153 = vector.broadcast %broadcast_in_dim3A_152 : i32 to vector<16xi32>
        %select_n3A_154 = arith.select %gt3A_150, %broadcast_in_dim3A_153, %select_n3A_145 : vector<16xi1>, vector<16xi32>
        %mul3A_155 = arith.constant 10 : i32
        %mul3A_156 = vector.broadcast %mul3A_155 : i32 to vector<16xi32>
        %mul3A_157 = arith.muli %select_n3A_154, %mul3A_156 : vector<16xi32>
        %add3A_158 = arith.constant 0 : i32
        %add3A_159 = vector.broadcast %add3A_158 : i32 to vector<16xi32>
        %add3A_160 = arith.addi %mul3A_157, %add3A_159 : vector<16xi32>
        %gather3A = tpu.vector_load_idx %arg6[%add3A_160] : memref<160xf32, #tpu.memory_space<vmem>>[vector<16xi32>], vector<16xf32>,
        %add3A_161 = arith.constant 0 : i32
        %add3A_162 = arith.addi %add3A_161, %scan3A_6 : i32
        %swap3A = arith.index_cast %add3A_162 : i32 to index
        %swap3A_163 = arith.index_cast %mul3A_17 : i32 to index
        %swap3A_164 = tpu.vector_load %arg7[%swap3A, %swap3A_163] {strides = array<i32>} : memref<200x512xf32, #tpu.memory_space<vmem>>, vector<16xf32>,
        tpu.vector_store %arg7[%swap3A, %swap3A_163], %gather3A {strides = array<i32>} : memref<200x512xf32, #tpu.memory_space<vmem>>, vector<16xf32>,
        %add3A_165 = arith.constant 1 : i32
        %add3A_166 = vector.broadcast %add3A_165 : i32 to vector<16xi32>
        %add3A_167 = arith.addi %mul3A_157, %add3A_166 : vector<16xi32>
        %gather3A_168 = tpu.vector_load_idx %arg6[%add3A_167] : memref<160xf32, #tpu.memory_space<vmem>>[vector<16xi32>], vector<16xf32>,
        %add3A_169 = arith.constant 20 : i32
        %add3A_170 = arith.addi %add3A_169, %scan3A_6 : i32
        %swap3A_171 = arith.index_cast %add3A_170 : i32 to index
        %swap3A_172 = arith.index_cast %mul3A_17 : i32 to index
        %swap3A_173 = tpu.vector_load %arg7[%swap3A_171, %swap3A_172] {strides = array<i32>} : memref<200x512xf32, #tpu.memory_space<vmem>>, vector<16xf32>,
        tpu.vector_store %arg7[%swap3A_171, %swap3A_172], %gather3A_168 {strides = array<i32>} : memref<200x512xf32, #tpu.memory_space<vmem>>, vector<16xf32>,
        %add3A_174 = arith.constant 2 : i32
        %add3A_175 = vector.broadcast %add3A_174 : i32 to vector<16xi32>
        %add3A_176 = arith.addi %mul3A_157, %add3A_175 : vector<16xi32>
        %gather3A_177 = tpu.vector_load_idx %arg6[%add3A_176] : memref<160xf32, #tpu.memory_space<vmem>>[vector<16xi32>], vector<16xf32>,
        %add3A_178 = arith.constant 40 : i32
        %add3A_179 = arith.addi %add3A_178, %scan3A_6 : i32
        %swap3A_180 = arith.index_cast %add3A_179 : i32 to index
        %swap3A_181 = arith.index_cast %mul3A_17 : i32 to index
        %swap3A_182 = tpu.vector_load %arg7[%swap3A_180, %swap3A_181] {strides = array<i32>} : memref<200x512xf32, #tpu.memory_space<vmem>>, vector<16xf32>,
        tpu.vector_store %arg7[%swap3A_180, %swap3A_181], %gather3A_177 {strides = array<i32>} : memref<200x512xf32, #tpu.memory_space<vmem>>, vector<16xf32>,
        %add3A_183 = arith.constant 3 : i32
        %add3A_184 = vector.broadcast %add3A_183 : i32 to vector<16xi32>
        %add3A_185 = arith.addi %mul3A_157, %add3A_184 : vector<16xi32>
        %gather3A_186 = tpu.vector_load_idx %arg6[%add3A_185] : memref<160xf32, #tpu.memory_space<vmem>>[vector<16xi32>], vector<16xf32>,
        %add3A_187 = arith.constant 60 : i32
        %add3A_188 = arith.addi %add3A_187, %scan3A_6 : i32
        %swap3A_189 = arith.index_cast %add3A_188 : i32 to index
        %swap3A_190 = arith.index_cast %mul3A_17 : i32 to index
        %swap3A_191 = tpu.vector_load %arg7[%swap3A_189, %swap3A_190] {strides = array<i32>} : memref<200x512xf32, #tpu.memory_space<vmem>>, vector<16xf32>,
        tpu.vector_store %arg7[%swap3A_189, %swap3A_190], %gather3A_186 {strides = array<i32>} : memref<200x512xf32, #tpu.memory_space<vmem>>, vector<16xf32>,
        %add3A_192 = arith.constant 4 : i32
        %add3A_193 = vector.broadcast %add3A_192 : i32 to vector<16xi32>
        %add3A_194 = arith.addi %mul3A_157, %add3A_193 : vector<16xi32>
        %gather3A_195 = tpu.vector_load_idx %arg6[%add3A_194] : memref<160xf32, #tpu.memory_space<vmem>>[vector<16xi32>], vector<16xf32>,
        %add3A_196 = arith.constant 80 : i32
        %add3A_197 = arith.addi %add3A_196, %scan3A_6 : i32
        %swap3A_198 = arith.index_cast %add3A_197 : i32 to index
        %swap3A_199 = arith.index_cast %mul3A_17 : i32 to index
        %swap3A_200 = tpu.vector_load %arg7[%swap3A_198, %swap3A_199] {strides = array<i32>} : memref<200x512xf32, #tpu.memory_space<vmem>>, vector<16xf32>,
        tpu.vector_store %arg7[%swap3A_198, %swap3A_199], %gather3A_195 {strides = array<i32>} : memref<200x512xf32, #tpu.memory_space<vmem>>, vector<16xf32>,
        %add3A_201 = arith.constant 5 : i32
        %add3A_202 = vector.broadcast %add3A_201 : i32 to vector<16xi32>
        %add3A_203 = arith.addi %mul3A_157, %add3A_202 : vector<16xi32>
        %gather3A_204 = tpu.vector_load_idx %arg6[%add3A_203] : memref<160xf32, #tpu.memory_space<vmem>>[vector<16xi32>], vector<16xf32>,
        %add3A_205 = arith.constant 100 : i32
        %add3A_206 = arith.addi %add3A_205, %scan3A_6 : i32
        %swap3A_207 = arith.index_cast %add3A_206 : i32 to index
        %swap3A_208 = arith.index_cast %mul3A_17 : i32 to index
        %swap3A_209 = tpu.vector_load %arg7[%swap3A_207, %swap3A_208] {strides = array<i32>} : memref<200x512xf32, #tpu.memory_space<vmem>>, vector<16xf32>,
        tpu.vector_store %arg7[%swap3A_207, %swap3A_208], %gather3A_204 {strides = array<i32>} : memref<200x512xf32, #tpu.memory_space<vmem>>, vector<16xf32>,
        %add3A_210 = arith.constant 6 : i32
        %add3A_211 = vector.broadcast %add3A_210 : i32 to vector<16xi32>
        %add3A_212 = arith.addi %mul3A_157, %add3A_211 : vector<16xi32>
        %gather3A_213 = tpu.vector_load_idx %arg6[%add3A_212] : memref<160xf32, #tpu.memory_space<vmem>>[vector<16xi32>], vector<16xf32>,
        %add3A_214 = arith.constant 120 : i32
        %add3A_215 = arith.addi %add3A_214, %scan3A_6 : i32
        %swap3A_216 = arith.index_cast %add3A_215 : i32 to index
        %swap3A_217 = arith.index_cast %mul3A_17 : i32 to index
        %swap3A_218 = tpu.vector_load %arg7[%swap3A_216, %swap3A_217] {strides = array<i32>} : memref<200x512xf32, #tpu.memory_space<vmem>>, vector<16xf32>,
        tpu.vector_store %arg7[%swap3A_216, %swap3A_217], %gather3A_213 {strides = array<i32>} : memref<200x512xf32, #tpu.memory_space<vmem>>, vector<16xf32>,
        %add3A_219 = arith.constant 7 : i32
        %add3A_220 = vector.broadcast %add3A_219 : i32 to vector<16xi32>
        %add3A_221 = arith.addi %mul3A_157, %add3A_220 : vector<16xi32>
        %gather3A_222 = tpu.vector_load_idx %arg6[%add3A_221] : memref<160xf32, #tpu.memory_space<vmem>>[vector<16xi32>], vector<16xf32>,
        %add3A_223 = arith.constant 140 : i32
        %add3A_224 = arith.addi %add3A_223, %scan3A_6 : i32
        %swap3A_225 = arith.index_cast %add3A_224 : i32 to index
        %swap3A_226 = arith.index_cast %mul3A_17 : i32 to index
        %swap3A_227 = tpu.vector_load %arg7[%swap3A_225, %swap3A_226] {strides = array<i32>} : memref<200x512xf32, #tpu.memory_space<vmem>>, vector<16xf32>,
        tpu.vector_store %arg7[%swap3A_225, %swap3A_226], %gather3A_222 {strides = array<i32>} : memref<200x512xf32, #tpu.memory_space<vmem>>, vector<16xf32>,
        %add3A_228 = arith.constant 8 : i32
        %add3A_229 = vector.broadcast %add3A_228 : i32 to vector<16xi32>
        %add3A_230 = arith.addi %mul3A_157, %add3A_229 : vector<16xi32>
        %gather3A_231 = tpu.vector_load_idx %arg6[%add3A_230] : memref<160xf32, #tpu.memory_space<vmem>>[vector<16xi32>], vector<16xf32>,
        %add3A_232 = arith.constant 160 : i32
        %add3A_233 = arith.addi %add3A_232, %scan3A_6 : i32
        %swap3A_234 = arith.index_cast %add3A_233 : i32 to index
        %swap3A_235 = arith.index_cast %mul3A_17 : i32 to index
        %swap3A_236 = tpu.vector_load %arg7[%swap3A_234, %swap3A_235] {strides = array<i32>} : memref<200x512xf32, #tpu.memory_space<vmem>>, vector<16xf32>,
        tpu.vector_store %arg7[%swap3A_234, %swap3A_235], %gather3A_231 {strides = array<i32>} : memref<200x512xf32, #tpu.memory_space<vmem>>, vector<16xf32>,
        %add3A_237 = arith.constant 9 : i32
        %add3A_238 = vector.broadcast %add3A_237 : i32 to vector<16xi32>
        %add3A_239 = arith.addi %mul3A_157, %add3A_238 : vector<16xi32>
        %gather3A_240 = tpu.vector_load_idx %arg6[%add3A_239] : memref<160xf32, #tpu.memory_space<vmem>>[vector<16xi32>], vector<16xf32>,
        %add3A_241 = arith.constant 180 : i32
        %add3A_242 = arith.addi %add3A_241, %scan3A_6 : i32
        %swap3A_243 = arith.index_cast %add3A_242 : i32 to index
        %swap3A_244 = arith.index_cast %mul3A_17 : i32 to index
        %swap3A_245 = tpu.vector_load %arg7[%swap3A_243, %swap3A_244] {strides = array<i32>} : memref<200x512xf32, #tpu.memory_space<vmem>>, vector<16xf32>,
        tpu.vector_store %arg7[%swap3A_243, %swap3A_244], %gather3A_240 {strides = array<i32>} : memref<200x512xf32, #tpu.memory_space<vmem>>, vector<16xf32>,
      }
      %scan3A_14 = arith.constant 32 : i32
    }
    %scan3A_5 = arith.constant 20 : i32
    "tpu.region"() ({
      %run_scoped3A = tpu.sem_alloc : memref<!tpu.dma_semaphore, #tpu.memory_space<semaphore_mem>>
      %dma_start3A = arith.constant 0 : i32
      %dma_start3A_6 = arith.constant 0 : i32
      %dma_start3A_7 = tpu.memref_slice %arg4[%add3A, %dma_start3A, %dma_start3A_6] : memref<32x200x512xf32, #tpu.memory_space<hbm>> -> memref<1x200x512xf32, #tpu.memory_space<hbm>>
      %dma_start3A_8 = tpu.memref_squeeze %dma_start3A_7 : memref<1x200x512xf32, #tpu.memory_space<hbm>> -> memref<200x512xf32, #tpu.memory_space<hbm>>
      %dma_start3A_9 = arith.constant 0 : i32
      %dma_start3A_10 = arith.constant 0 : i32
      %dma_start3A_11 = tpu.memref_slice %arg4[%add3A, %dma_start3A_9, %dma_start3A_10] : memref<32x200x512xf32, #tpu.memory_space<hbm>> -> memref<1x200x512xf32, #tpu.memory_space<hbm>>
      %dma_start3A_12 = tpu.memref_squeeze %dma_start3A_11 : memref<1x200x512xf32, #tpu.memory_space<hbm>> -> memref<200x512xf32, #tpu.memory_space<hbm>>
      tpu.enqueue_dma source(%arg7 : memref<200x512xf32, #tpu.memory_space<vmem>>) target(%dma_start3A_12 : memref<200x512xf32, #tpu.memory_space<hbm>>) target_semaphore(%run_scoped3A : memref<!tpu.dma_semaphore, #tpu.memory_space<semaphore_mem>>)
      %dma_wait3A = arith.constant 0 : i32
      %dma_wait3A_13 = arith.constant 0 : i32
      %dma_wait3A_14 = tpu.memref_slice %arg4[%add3A, %dma_wait3A, %dma_wait3A_13] : memref<32x200x512xf32, #tpu.memory_space<hbm>> -> memref<1x200x512xf32, #tpu.memory_space<hbm>>
      %dma_wait3A_15 = tpu.memref_squeeze %dma_wait3A_14 : memref<1x200x512xf32, #tpu.memory_space<hbm>> -> memref<200x512xf32, #tpu.memory_space<hbm>>
      %dma_wait3A_16 = arith.constant 0 : i32
      %dma_wait3A_17 = arith.constant 0 : i32
      %dma_wait3A_18 = tpu.memref_slice %arg4[%add3A, %dma_wait3A_16, %dma_wait3A_17] : memref<32x200x512xf32, #tpu.memory_space<hbm>> -> memref<1x200x512xf32, #tpu.memory_space<hbm>>
      %dma_wait3A_19 = tpu.memref_squeeze %dma_wait3A_18 : memref<1x200x512xf32, #tpu.memory_space<hbm>> -> memref<200x512xf32, #tpu.memory_space<hbm>>
      tpu.wait_dma2 semaphore(%run_scoped3A : memref<!tpu.dma_semaphore, #tpu.memory_space<semaphore_mem>>) src(%arg7 : memref<200x512xf32, #tpu.memory_space<vmem>>) dst(%dma_wait3A_19 : memref<200x512xf32, #tpu.memory_space<hbm>>)
      tpu.yield
    }) : () -> ()
    return
  }
}

module attributes {stable_mosaic.version = 14 : i64} {
  func.func @_enc_body(%arg0: i32, %arg1: memref<784x512xf32, #tpu.memory_space<vmem>>, %arg2: memref<400x784xf32, #tpu.memory_space<vmem>>, %arg3: memref<400x1xf32, #tpu.memory_space<vmem>>, %arg4: memref<200x400xf32, #tpu.memory_space<vmem>>, %arg5: memref<200x1xf32, #tpu.memory_space<vmem>>, %arg6: memref<320x200xf32, #tpu.memory_space<vmem>>, %arg7: memref<320x1xf32, #tpu.memory_space<vmem>>, %arg8: memref<200x512xf32, #tpu.memory_space<vmem>>, %arg9: memref<1x320x512xf32, #tpu.memory_space<vmem>>) attributes {dimension_semantics = [#tpu.dimension_semantics<arbitrary>], iteration_bounds = array<i64: 32>, scalar_prefetch = 0 : i64, scratch_operands = 0 : i64, tpu.core_type = #tpu.core_type<tc>, window_params = [{transform_indices = @transform_0, window_bounds = array<i64: 784, 512>}, {pipeline_mode = #tpu.pipeline_mode<synchronous>, transform_indices = @transform_1, window_bounds = array<i64: 400, 784>}, {pipeline_mode = #tpu.pipeline_mode<synchronous>, transform_indices = @transform_2, window_bounds = array<i64: 400, 1>}, {pipeline_mode = #tpu.pipeline_mode<synchronous>, transform_indices = @transform_3, window_bounds = array<i64: 200, 400>}, {pipeline_mode = #tpu.pipeline_mode<synchronous>, transform_indices = @transform_4, window_bounds = array<i64: 200, 1>}, {pipeline_mode = #tpu.pipeline_mode<synchronous>, transform_indices = @transform_5, window_bounds = array<i64: 320, 200>}, {pipeline_mode = #tpu.pipeline_mode<synchronous>, transform_indices = @transform_6, window_bounds = array<i64: 320, 1>}, {transform_indices = @transform_7, window_bounds = array<i64: 200, 512>}, {transform_indices = @transform_8, window_bounds = array<i64: 1, 320, 512>}]} {
    %get3A = arith.constant 0 : index
    %get3A_0 = arith.constant 0 : index
    %get3A_1 = vector.load %arg2[%get3A, %get3A_0] : memref<400x784xf32, #tpu.memory_space<vmem>>, vector<400x784xf32>
    %get3A_2 = arith.constant 0 : index
    %get3A_3 = arith.constant 0 : index
    %get3A_4 = vector.load %arg1[%get3A_2, %get3A_3] : memref<784x512xf32, #tpu.memory_space<vmem>>, vector<784x512xf32>
    %dot_general3A = arith.constant dense<0.000000e+00> : vector<400x512xf32>
    %dot_general3A_5 = tpu.matmul %get3A_1, %get3A_4, %dot_general3A {dimension_numbers = #tpu.dot_dimension_numbers<[1], [0], [0], [1], [0, 0, 1, 1], [], []>, transpose_lhs_hint = false} : vector<400x784xf32>, vector<784x512xf32>, vector<400x512xf32> -> vector<400x512xf32>
    %get3A_6 = arith.constant 0 : index
    %get3A_7 = arith.constant 0 : index
    %get3A_8 = vector.load %arg3[%get3A_6, %get3A_7] : memref<400x1xf32, #tpu.memory_space<vmem>>, vector<400x1xf32>
    %add3A = vector.broadcast %get3A_8 : vector<400x1xf32> to vector<400x512xf32>
    %add3A_9 = arith.addf %dot_general3A_5, %add3A : vector<400x512xf32>
    %max3A = arith.constant 0.000000e+00 : f32
    %max3A_10 = vector.broadcast %max3A : f32 to vector<400x512xf32>
    %max3A_11 = arith.maximumf %add3A_9, %max3A_10 : vector<400x512xf32>
    %get3A_12 = arith.constant 0 : index
    %get3A_13 = arith.constant 0 : index
    %get3A_14 = vector.load %arg4[%get3A_12, %get3A_13] : memref<200x400xf32, #tpu.memory_space<vmem>>, vector<200x400xf32>
    %dot_general3A_15 = arith.constant dense<0.000000e+00> : vector<200x512xf32>
    %dot_general3A_16 = tpu.matmul %get3A_14, %max3A_11, %dot_general3A_15 {dimension_numbers = #tpu.dot_dimension_numbers<[1], [0], [0], [1], [0, 0, 1, 1], [], []>, transpose_lhs_hint = false} : vector<200x400xf32>, vector<400x512xf32>, vector<200x512xf32> -> vector<200x512xf32>
    %get3A_17 = arith.constant 0 : index
    %get3A_18 = arith.constant 0 : index
    %get3A_19 = vector.load %arg5[%get3A_17, %get3A_18] : memref<200x1xf32, #tpu.memory_space<vmem>>, vector<200x1xf32>
    %add3A_20 = vector.broadcast %get3A_19 : vector<200x1xf32> to vector<200x512xf32>
    %add3A_21 = arith.addf %dot_general3A_16, %add3A_20 : vector<200x512xf32>
    %swap3A = arith.constant 0 : index
    %swap3A_22 = arith.constant 0 : index
    %swap3A_23 = vector.load %arg8[%swap3A, %swap3A_22] : memref<200x512xf32, #tpu.memory_space<vmem>>, vector<200x512xf32>
    tpu.vector_store %arg8[%swap3A, %swap3A_22], %add3A_21 {strides = array<i32>} : memref<200x512xf32, #tpu.memory_space<vmem>>, vector<200x512xf32>,
    %get3A_24 = arith.constant 0 : index
    %get3A_25 = arith.constant 0 : index
    %get3A_26 = vector.load %arg6[%get3A_24, %get3A_25] : memref<320x200xf32, #tpu.memory_space<vmem>>, vector<320x200xf32>
    %dot_general3A_27 = arith.constant dense<0.000000e+00> : vector<320x512xf32>
    %dot_general3A_28 = tpu.matmul %get3A_26, %add3A_21, %dot_general3A_27 {dimension_numbers = #tpu.dot_dimension_numbers<[1], [0], [0], [1], [0, 0, 1, 1], [], []>, precision = #tpu.contract_precision<fp32>, transpose_lhs_hint = false} : vector<320x200xf32>, vector<200x512xf32>, vector<320x512xf32> -> vector<320x512xf32>
    %get3A_29 = arith.constant 0 : index
    %get3A_30 = arith.constant 0 : index
    %get3A_31 = vector.load %arg7[%get3A_29, %get3A_30] : memref<320x1xf32, #tpu.memory_space<vmem>>, vector<320x1xf32>
    %sub3A = vector.broadcast %get3A_31 : vector<320x1xf32> to vector<320x512xf32>
    %sub3A_32 = arith.subf %dot_general3A_28, %sub3A : vector<320x512xf32>
    %swap3A_33 = arith.constant 0 : index
    %swap3A_34 = arith.constant 0 : index
    %swap3A_35 = arith.constant 0 : index
    %swap3A_36 = vector.load %arg9[%swap3A_33, %swap3A_34, %swap3A_35] : memref<1x320x512xf32, #tpu.memory_space<vmem>>, vector<1x320x512xf32>
    %swap3A_37 = vector.shape_cast %swap3A_36 : vector<1x320x512xf32> to vector<320x512xf32>
    %swap3A_38 = vector.shape_cast %sub3A_32 : vector<320x512xf32> to vector<1x320x512xf32>
    tpu.vector_store %arg9[%swap3A_33, %swap3A_34, %swap3A_35], %swap3A_38 {strides = array<i32>} : memref<1x320x512xf32, #tpu.memory_space<vmem>>, vector<1x320x512xf32>,
    return
  }
  func.func @transform_0(%arg0: i32) -> (i32, i32) {
    %c0_i32 = arith.constant 0 : i32
    %c0_i32_0 = arith.constant 0 : i32
    return %c0_i32, %arg0 : i32, i32
  }
  func.func @transform_1(%arg0: i32) -> (i32, i32) {
    %c0_i32 = arith.constant 0 : i32
    %c0_i32_0 = arith.constant 0 : i32
    %c0_i32_1 = arith.constant 0 : i32
    return %c0_i32, %c0_i32_0 : i32, i32
  }
  func.func @transform_2(%arg0: i32) -> (i32, i32) {
    %c0_i32 = arith.constant 0 : i32
    %c0_i32_0 = arith.constant 0 : i32
    %c0_i32_1 = arith.constant 0 : i32
    return %c0_i32, %c0_i32_0 : i32, i32
  }
  func.func @transform_3(%arg0: i32) -> (i32, i32) {
    %c0_i32 = arith.constant 0 : i32
    %c0_i32_0 = arith.constant 0 : i32
    %c0_i32_1 = arith.constant 0 : i32
    return %c0_i32, %c0_i32_0 : i32, i32
  }
  func.func @transform_4(%arg0: i32) -> (i32, i32) {
    %c0_i32 = arith.constant 0 : i32
    %c0_i32_0 = arith.constant 0 : i32
    %c0_i32_1 = arith.constant 0 : i32
    return %c0_i32, %c0_i32_0 : i32, i32
  }
  func.func @transform_5(%arg0: i32) -> (i32, i32) {
    %c0_i32 = arith.constant 0 : i32
    %c0_i32_0 = arith.constant 0 : i32
    %c0_i32_1 = arith.constant 0 : i32
    return %c0_i32, %c0_i32_0 : i32, i32
  }
  func.func @transform_6(%arg0: i32) -> (i32, i32) {
    %c0_i32 = arith.constant 0 : i32
    %c0_i32_0 = arith.constant 0 : i32
    %c0_i32_1 = arith.constant 0 : i32
    return %c0_i32, %c0_i32_0 : i32, i32
  }
  func.func @transform_7(%arg0: i32) -> (i32, i32) {
    %c0_i32 = arith.constant 0 : i32
    %c0_i32_0 = arith.constant 0 : i32
    return %c0_i32, %arg0 : i32, i32
  }
  func.func @transform_8(%arg0: i32) -> (i32, i32, i32) {
    %c0_i32 = arith.constant 0 : i32
    %c0_i32_0 = arith.constant 0 : i32
    %c0_i32_1 = arith.constant 0 : i32
    return %arg0, %c0_i32, %c0_i32_0 : i32, i32, i32
  }
}

module attributes {stable_mosaic.version = 14 : i64} {
  func.func @_dec_body(%arg0: i32, %arg1: memref<1x200x512xf32, #tpu.memory_space<vmem>>, %arg2: memref<400x200xf32, #tpu.memory_space<vmem>>, %arg3: memref<400x1xf32, #tpu.memory_space<vmem>>, %arg4: memref<784x400xf32, #tpu.memory_space<vmem>>, %arg5: memref<784x1xf32, #tpu.memory_space<vmem>>, %arg6: memref<784x512xf32, #tpu.memory_space<vmem>>, %arg7: memref<200x512xf32, #tpu.memory_space<vmem>>) attributes {dimension_semantics = [#tpu.dimension_semantics<arbitrary>], iteration_bounds = array<i64: 32>, scalar_prefetch = 0 : i64, scratch_operands = 0 : i64, tpu.core_type = #tpu.core_type<tc>, window_params = [{transform_indices = @transform_0, window_bounds = array<i64: 1, 200, 512>}, {pipeline_mode = #tpu.pipeline_mode<synchronous>, transform_indices = @transform_1, window_bounds = array<i64: 400, 200>}, {pipeline_mode = #tpu.pipeline_mode<synchronous>, transform_indices = @transform_2, window_bounds = array<i64: 400, 1>}, {pipeline_mode = #tpu.pipeline_mode<synchronous>, transform_indices = @transform_3, window_bounds = array<i64: 784, 400>}, {pipeline_mode = #tpu.pipeline_mode<synchronous>, transform_indices = @transform_4, window_bounds = array<i64: 784, 1>}, {transform_indices = @transform_5, window_bounds = array<i64: 784, 512>}, {transform_indices = @transform_6, window_bounds = array<i64: 200, 512>}]} {
    %get3A = arith.constant 0 : index
    %get3A_0 = arith.constant 0 : index
    %get3A_1 = arith.constant 0 : index
    %get3A_2 = vector.load %arg1[%get3A, %get3A_0, %get3A_1] : memref<1x200x512xf32, #tpu.memory_space<vmem>>, vector<1x200x512xf32>
    %get3A_3 = vector.shape_cast %get3A_2 : vector<1x200x512xf32> to vector<200x512xf32>
    %get3A_4 = arith.constant 0 : index
    %get3A_5 = arith.constant 0 : index
    %get3A_6 = vector.load %arg2[%get3A_4, %get3A_5] : memref<400x200xf32, #tpu.memory_space<vmem>>, vector<400x200xf32>
    %dot_general3A = arith.constant dense<0.000000e+00> : vector<400x512xf32>
    %dot_general3A_7 = tpu.matmul %get3A_6, %get3A_3, %dot_general3A {dimension_numbers = #tpu.dot_dimension_numbers<[1], [0], [0], [1], [0, 0, 1, 1], [], []>, transpose_lhs_hint = false} : vector<400x200xf32>, vector<200x512xf32>, vector<400x512xf32> -> vector<400x512xf32>
    %get3A_8 = arith.constant 0 : index
    %get3A_9 = arith.constant 0 : index
    %get3A_10 = vector.load %arg3[%get3A_8, %get3A_9] : memref<400x1xf32, #tpu.memory_space<vmem>>, vector<400x1xf32>
    %add3A = vector.broadcast %get3A_10 : vector<400x1xf32> to vector<400x512xf32>
    %add3A_11 = arith.addf %dot_general3A_7, %add3A : vector<400x512xf32>
    %max3A = arith.constant 0.000000e+00 : f32
    %max3A_12 = vector.broadcast %max3A : f32 to vector<400x512xf32>
    %max3A_13 = arith.maximumf %add3A_11, %max3A_12 : vector<400x512xf32>
    %get3A_14 = arith.constant 0 : index
    %get3A_15 = arith.constant 0 : index
    %get3A_16 = vector.load %arg4[%get3A_14, %get3A_15] : memref<784x400xf32, #tpu.memory_space<vmem>>, vector<784x400xf32>
    %dot_general3A_17 = arith.constant dense<0.000000e+00> : vector<784x512xf32>
    %dot_general3A_18 = tpu.matmul %get3A_16, %max3A_13, %dot_general3A_17 {dimension_numbers = #tpu.dot_dimension_numbers<[1], [0], [0], [1], [0, 0, 1, 1], [], []>, transpose_lhs_hint = false} : vector<784x400xf32>, vector<400x512xf32>, vector<784x512xf32> -> vector<784x512xf32>
    %get3A_19 = arith.constant 0 : index
    %get3A_20 = arith.constant 0 : index
    %get3A_21 = vector.load %arg5[%get3A_19, %get3A_20] : memref<784x1xf32, #tpu.memory_space<vmem>>, vector<784x1xf32>
    %add3A_22 = vector.broadcast %get3A_21 : vector<784x1xf32> to vector<784x512xf32>
    %add3A_23 = arith.addf %dot_general3A_18, %add3A_22 : vector<784x512xf32>
    %logistic3A = arith.negf %add3A_23 : vector<784x512xf32>
    %logistic3A_24 = math.exp %logistic3A : vector<784x512xf32>
    %logistic3A_25 = arith.constant 1.000000e+00 : f32
    %logistic3A_26 = vector.broadcast %logistic3A_25 : f32 to vector<784x512xf32>
    %logistic3A_27 = arith.addf %logistic3A_26, %logistic3A_24 : vector<784x512xf32>
    %logistic3A_28 = arith.divf %logistic3A_26, %logistic3A_27 : vector<784x512xf32>
    %swap3A = arith.constant 0 : index
    %swap3A_29 = arith.constant 0 : index
    %swap3A_30 = vector.load %arg6[%swap3A, %swap3A_29] : memref<784x512xf32, #tpu.memory_space<vmem>>, vector<784x512xf32>
    tpu.vector_store %arg6[%swap3A, %swap3A_29], %logistic3A_28 {strides = array<i32>} : memref<784x512xf32, #tpu.memory_space<vmem>>, vector<784x512xf32>,
    %swap3A_31 = arith.constant 0 : index
    %swap3A_32 = arith.constant 0 : index
    %swap3A_33 = vector.load %arg7[%swap3A_31, %swap3A_32] : memref<200x512xf32, #tpu.memory_space<vmem>>, vector<200x512xf32>
    tpu.vector_store %arg7[%swap3A_31, %swap3A_32], %get3A_3 {strides = array<i32>} : memref<200x512xf32, #tpu.memory_space<vmem>>, vector<200x512xf32>,
    return
  }
  func.func @transform_0(%arg0: i32) -> (i32, i32, i32) {
    %c0_i32 = arith.constant 0 : i32
    %c0_i32_0 = arith.constant 0 : i32
    %c0_i32_1 = arith.constant 0 : i32
    return %arg0, %c0_i32, %c0_i32_0 : i32, i32, i32
  }
  func.func @transform_1(%arg0: i32) -> (i32, i32) {
    %c0_i32 = arith.constant 0 : i32
    %c0_i32_0 = arith.constant 0 : i32
    %c0_i32_1 = arith.constant 0 : i32
    return %c0_i32, %c0_i32_0 : i32, i32
  }
  func.func @transform_2(%arg0: i32) -> (i32, i32) {
    %c0_i32 = arith.constant 0 : i32
    %c0_i32_0 = arith.constant 0 : i32
    %c0_i32_1 = arith.constant 0 : i32
    return %c0_i32, %c0_i32_0 : i32, i32
  }
  func.func @transform_3(%arg0: i32) -> (i32, i32) {
    %c0_i32 = arith.constant 0 : i32
    %c0_i32_0 = arith.constant 0 : i32
    %c0_i32_1 = arith.constant 0 : i32
    return %c0_i32, %c0_i32_0 : i32, i32
  }
  func.func @transform_4(%arg0: i32) -> (i32, i32) {
    %c0_i32 = arith.constant 0 : i32
    %c0_i32_0 = arith.constant 0 : i32
    %c0_i32_1 = arith.constant 0 : i32
    return %c0_i32, %c0_i32_0 : i32, i32
  }
  func.func @transform_5(%arg0: i32) -> (i32, i32) {
    %c0_i32 = arith.constant 0 : i32
    %c0_i32_0 = arith.constant 0 : i32
    return %c0_i32, %arg0 : i32, i32
  }
  func.func @transform_6(%arg0: i32) -> (i32, i32) {
    %c0_i32 = arith.constant 0 : i32
    %c0_i32_0 = arith.constant 0 : i32
    return %c0_i32, %arg0 : i32, i32
  }
}

</mosaic_0001>

<sc_bundles>
// kernel: kernel.5.cloned.1.call-start
scs
__scs_entry_jumppad:
0x0: {  	(pc) =	sbr.rel $0x88, $3  }
0x1: {  	(tag) =	ssettag $0x0;
	lr =	simm.s32 $0x1  }
0x2: {  	[smem:$0x3F97] =	sst lr;
	_ =	strace $0xD0000000  }
0x3: {  	_ = 	snop  }
0x4: {  	_ = 	snop  }
0x5: {  	_ = 	snop  }
0x6: {  	_ = 	snop  }
0x7: {  	_ = 	snop  }
__scs_overlays_trampoline_lowered:
0x8: {  	[smem:$0x3FA6] =	sst s0  }
0x9: {  	[smem:$0x3FA7] =	sst s1  }
0xa: {  	[smem:$0x3FA8] =	sst s2  }
0xb: {  	[smem:$0x3FA9] =	sst s3  }
0xc: {  	[smem:$0x3FAA] =	sst s4  }
0xd: {  	[smem:$0x3FAB] =	sst s5  }
0xe: {  	[smem:$0x3FAC] =	sst s6  }
0xf: {  	[smem:$0x3FAD] =	sst s7  }
0x10: {  	[smem:$0x3FAE] =	sst s8  }
0x11: {  	[smem:$0x3FAF] =	sst s9;
	s0 =	simm.s32 @!p0 $0x0  }
0x12: {  	s1 =	sld [smem:$0x3F95];
	s0 =	simm.s32 @p0 $0x1  }
0x13: {  	[smem:$0x3FB0] =	sst s0;
	s0 =	simm.s32 @!p1 $0x0  }
0x14: {  	s2 =	sld [smem:$0x3F94];
	s0 =	simm.s32 @p1 $0x1  }
0x15: {  	[smem:$0x3FB1] =	sst s0;
	s0 =	simm.s32 @!p2 $0x0  }
0x16: {  	s3 =	sld [smem:$0x3FDB];
	s0 =	simm.s32 @p2 $0x1  }
0x17: {  	s4 =	simm.s32 $0x1BF5;
	[smem:$0x3FB3] =	sst s0  }
0x18: {  	s0 =	sld [smem:$0x3F96];
	_ =	swait.ge [sflag:s4], $0x0  }
0x19: {  	s7 =	sld [smem:$0x3F97]  }
0x1a: {  	s8 =	sadd.s32 $0xFFFFE003, lr  }
0x1b: {  	s9 =	sadd.s32 $0xFFFFFEF7, lr;
	s5 =	simm.s32 $0xFFFFFFFF;
	p2 =	slt.u32 s8, $0xFFFFF086  }
0x1c: {  	p1 =	slt.u32 s9, $0xF7A;
	s5 =	simm.s32 @!p2 $0x0  }
0x1d: {  	s5 =	simm.s32 @p1 $0x1;
	p0 =	seq.s32 s7, s2  }
0x1e: {  	s7 =	smul.u32 @!p0 $0xF7A, s2;
	p2 =	seq.s32 @!p0 s5, $0x0  }
0x1f: {  	s9 =	smul.u32 $0xF7A, s1;
	s8 =	simm.s32 @!p0 $0x1BF5;
	p2 =	por !p2, p0  }
0x20: {  	[sflag:s8] =	ssyncset.s32 @!p0 $0xFFFFF086;
	s6 =	sadd.s32 @!p0 s3, s7;
	s7 =	simm.s32 @!p0 $0x108  }
0x21: {  	s3 =	sadd.s32 s3, s9;
	s6 =	sadd.s32 @!p0 $0x88, s6;
	s7 =	simm.s32 @p2 $0x1082  }
0x22: {  	[simem:s7], [sflag:s8] =	dma.local @!p0 [hbm:s6], $0xF7A  }
0x23: {  	s9 =	sor.u32 $0xD0000000, s2;
	s6 =	simm.s32 $0x108;
	_ =	swait.ge @!p0 [sflag:s8], $0x0  }
0x24: {  	s3 =	sadd.s32 $0x88, s3;
	s6 =	simm.s32 @!p1 $0x1082;
	[sflag:s4] =	ssyncset.s32 $0xFFFFF086  }
0x25: {  	[simem:s6], [sflag:s4] =	dma.local [hbm:s3], $0xF7A  }
0x26: {  	[smem:$0x3F97] =	sst s1;
	(tag) =	ssettag s2;
	_ =	strace s9  }
0x27: {  	s1 =	sld [smem:$0x3FA7]  }
0x28: {  	s2 =	sld [smem:$0x3FA8]  }
0x29: {  	s4 =	sld [smem:$0x3FAA]  }
0x2a: {  	p0 =	seq.s32 s5, $0x0;
	s5 =	sld [smem:$0x3FAB]  }
0x2b: {  	s6 =	sld [smem:$0x3FAC]  }
0x2c: {  	s7 =	sld [smem:$0x3FAD]  }
0x2d: {  	s3 =	simm.s32 $0x108;
	s8 =	sld [smem:$0x3FAE]  }
0x2e: {  	s3 =	simm.s32 @!p0 $0x1082;
	s9 =	sld [smem:$0x3FAF]  }
0x2f: {  	lr =	sadd.s32 s0, s3;
	s0 =	sld [smem:$0x3FA6]  }
0x30: {  	s3 =	sld [smem:$0x3FA9]  }
0x31: {  	[smem:$0x3FB2] =	sst s10  }
0x32: {  	s10 =	sld [smem:$0x3FB0];
	_ =	sdelay $0x3  }
0x33: {  	p0 =	seq.s32 s10, $0x1;
	s10 =	sld [smem:$0x3FB2];
	_ =	sdelay $0x3  }
0x34: {  	[smem:$0x3FB2] =	sst s10  }
0x35: {  	s10 =	sld [smem:$0x3FB1];
	_ =	sdelay $0x3  }
0x36: {  	p1 =	seq.s32 s10, $0x1;
	s10 =	sld [smem:$0x3FB2];
	_ =	sdelay $0x3  }
0x37: {  	[smem:$0x3FB2] =	sst s10  }
0x38: {  	s10 =	sld [smem:$0x3FB3]  }
0x39: {  	_ = 	snop;
	(pc) =	sbr.ind lr, $3  }
0x3a: {  	_ = 	snop  }
0x3b: {  	_ = 	snop  }
0x3c: {  	p2 =	seq.s32 s10, $0x1;
	s10 =	sld [smem:$0x3FB2]  }
0x3d: {  	_ =	shalt  }
0x3e: {  	_ =	shalt  }
0x3f: {  	_ =	shalt  }
0x40: {  	_ =	shalt  }
0x41: {  	_ =	shalt  }
0x42: {  	_ =	shalt  }
0x43: {  	_ =	shalt  }
0x44: {  	_ =	shalt  }
0x45: {  	_ =	shalt  }
0x46: {  	_ =	shalt  }
0x47: {  	_ =	shalt  }
0x48: {  	_ =	shalt  }
0x49: {  	_ =	shalt  }
0x4a: {  	_ =	shalt  }
0x4b: {  	_ =	shalt  }
0x4c: {  	_ =	shalt  }
0x4d: {  	_ =	shalt  }
0x4e: {  	_ =	shalt  }
0x4f: {  	_ =	shalt  }
0x50: {  	_ =	shalt  }
0x51: {  	_ =	shalt  }
0x52: {  	_ =	shalt  }
0x53: {  	_ =	shalt  }
0x54: {  	_ =	shalt  }
0x55: {  	_ =	shalt  }
0x56: {  	_ =	shalt  }
0x57: {  	_ =	shalt  }
0x58: {  	_ =	shalt  }
0x59: {  	_ =	shalt  }
0x5a: {  	_ =	shalt  }
0x5b: {  	_ =	shalt  }
0x5c: {  	_ =	shalt  }
0x5d: {  	_ =	shalt  }
0x5e: {  	_ =	shalt  }
0x5f: {  	_ =	shalt  }
0x60: {  	_ =	shalt  }
0x61: {  	_ =	shalt  }
0x62: {  	_ =	shalt  }
0x63: {  	_ =	shalt  }
0x64: {  	_ =	shalt  }
0x65: {  	_ =	shalt  }
0x66: {  	_ =	shalt  }
0x67: {  	_ =	shalt  }
0x68: {  	_ =	shalt  }
0x69: {  	_ =	shalt  }
0x6a: {  	_ =	shalt  }
0x6b: {  	_ =	shalt  }
0x6c: {  	_ =	shalt  }
0x6d: {  	_ =	shalt  }
0x6e: {  	_ =	shalt  }
0x6f: {  	_ =	shalt  }
0x70: {  	_ =	shalt  }
0x71: {  	_ =	shalt  }
0x72: {  	_ =	shalt  }
0x73: {  	_ =	shalt  }
0x74: {  	_ =	shalt  }
0x75: {  	_ =	shalt  }
0x76: {  	_ =	shalt  }
0x77: {  	_ =	shalt  }
0x78: {  	_ =	shalt  }
0x79: {  	_ =	shalt  }
0x7a: {  	_ =	shalt  }
0x7b: {  	_ =	shalt  }
0x7c: {  	_ =	shalt  }
0x7d: {  	_ =	shalt  }
0x7e: {  	_ =	shalt  }
0x7f: {  	_ =	shalt  }
0x80: {  	_ =	shalt  }
0x81: {  	_ =	shalt  }
0x82: {  	_ =	shalt  }
0x83: {  	_ =	shalt  }
0x84: {  	_ =	shalt  }
0x85: {  	_ =	shalt  }
0x86: {  	_ =	shalt  }
0x87: {  	_ =	shalt  }
.Lfunc_end0:
.L_simem_size_0:
called_computation_lowered:
.L_overlay_start_0:
0x88: {  	s2 =	sld [smem:$0x3FD9]  }
0x89: {  	s3 =	sld [smem:$0x3FFE];
	_ =	sdelay $0x1  }
0x8a: {  	s1 =	srdreg.scid  }
0x8b: {  	s0 =	sand.u32 $0x1, s1  }
0x8c: {  	s14 =	sshll.u32 s0, $0xA;
	s2 =	sadd.s32 s3, s2  }
0x8d: {  	s2 =	sadd.s32 s2, s14  }
0x8e: {  	[smem:$0x3FBE] =	sst s2  }
0x8f: {  	_ = 	snop  }
0x90: {  	s2 =	sld [smem:$0x3FD0];
	_ =	sdelay $0x2  }
0x91: {  	s15 =	simm.s32 $0xA;
	s4 =	simm.s32 $0x10  }
0x92: {  	[smem:s4], [sflag:s15] =	dma.local [hbm:s2], $0x1  }
0x93: {  	_ =	swait.eq [sflag:s15], $0x1  }
0x94: {  	[sflag:s15] =	ssyncset.done $0x0  }
0x95: {  	s16 =	sld [smem:$0x10];
	[sflag:s15] =	ssyncadd.s32 $0xFFFFFFFF  }
0x96: {  	s17 =	sld [smem:$0x12];
	(tm) =	ssettm $0x1  }
0x97: {  	s18 =	sld [smem:$0x3FFB];
	_ =	sdelay $0x3  }
0x98: {  	_ =	strace s18  }
0x99: {  	s4 =	sld [smem:$0x3FFC];
	_ =	sdelay $0x3  }
0x9a: {  	_ =	strace s4  }
0x9b: {  	s4 =	sld [smem:$0x3FFD];
	_ =	sdelay $0x3  }
0x9c: {  	_ =	strace s4  }
0x9d: {  	_ =	strace $0x8FFFFFFF  }
0x9e: {  	s19 =	sld [smem:$0x3FDB];
	_ =	sdelay $0x1  }
0x9f: {  	s5 =	simm.s32 $_scs_section_size  }
0xa0: {  	s6 =	simm.s32 $_size__tile_overlayer_lowered;
	s7 =	simm.s32 $_tile_overlayer_lowered  }
0xa1: {  	s22 =	simm.s32 $0x1BFF;
	s21 =	sshll.u32 s7, $0x1;
	s4 =	sadd.s32 s5, s19  }
0xa2: {  	s8 =	simm.s32 $0x0;
	s20 =	sshll.u32 s6, $0x1;
	s6 =	sadd.s32 s21, s4  }
0xa3: {  	[timem:s8], [sflag:s22] =	dma.local [hbm:s6], s20  }
0xa4: {  	_ =	swait.ge [sflag:s22], s20  }
0xa5: {  	s5 =	ssub.s32 $0x0, s20;
	[sflag:s22] =	ssyncset.done $0x0  }
0xa6: {  	[sflag:s22] =	ssyncadd.s32 s5;
	_ =	sdelay $0x1  }
0xa7: {  	s23 =	simm.s32 $0x1B8B  }
0xa8: {  	_ =	swait.ge [sflag:s23], $0x1  }
0xa9: {  	[sflag:s23] =	ssyncset.done $0x0  }
0xaa: {  	s25 =	simm.s32 $0x1B8E;
	s24 =	sld [smem:$0x3FFE];
	[sflag:s23] =	ssyncadd.s32 $0xFFFFFFFF  }
0xab: {  	s26 =	simm.s32 $execute0_lowered;
	[smem:$0x3FD2] =	sst s25  }
0xac: {  	s6 =	sshll.u32 s26, $0x1;
	_ =	strace $0x80000046;
	[dreg:$0x1] =	wrdreg $0xFFFFFFFF  }
0xad: {  	s28 =	simm.s32 $_size_execute0_lowered;
	s4 =	sadd.s32 s4, s6;
	[dreg:$0x0] =	wrdreg $0x0  }
0xae: {  	s6 =	sshll.u32 s28, $0x1;
	[dreg:$0x2] =	wrdreg s4  }
0xaf: {  	[dreg:$0x3] =	wrdreg s6  }
0xb0: {  	[dreg:$0x4] =	wrdreg $0xC0  }
0xb1: {  	_ =	task [dreg:s8], $0x5FFFF  }
0xb2: {  	[dreg:$0x1] =	wrdreg $0xFFFFFFFF  }
0xb3: {  	[dreg:$0x0] =	wrdreg $0x60  }
0xb4: {  	[dreg:$0x2] =	wrdreg s16  }
0xb5: {  	[dreg:$0x3] =	wrdreg s24  }
0xb6: {  	[dreg:$0x4] =	wrdreg s17  }
0xb7: {  	[dreg:$0x5] =	wrdreg $0x9  }
0xb8: {  	_ =	task.clear_ibuf [dreg:s8], $0x6FFFF;
	_ =	strace $0x90000046  }
0xb9: {  	s29 =	simm.s32 $0x9;
	_ =	strace $0x80000048  }
0xba: {  	_ =	swait.ge [sflag:s29], $0x1  }
0xbb: {  	[sflag:s29] =	ssyncadd.s32 $0xFFFFFFFF  }
0xbc: {  	_ =	strace $0x90000048  }
0xbd: {  	_ =	sfence  }
0xbe: {  	s30 =	sld [smem:$0x0];
	_ =	sdelay $0x2  }
0xbf: {  	s31 =	sshll.u32 s1, $0xD;
	s1 =	sshrl.u32 s1, $0x2  }
0xc0: {  	s3 =	sand.u32 $0x4000, s31;
	s1 =	sadd.s32 s1, s30  }
0xc1: {  	s0 =	sor.u32 s3, s0;
	s1 =	sshll.u32 s1, $0x11  }
0xc2: {  	s0 =	sor.u32 s1, s0  }
0xc3: {  	s0 =	sadd.s32 $0x8F2B, s0  }
0xc4: {  	[sflag:s0] =	ssyncadd.remote.s32 $0x1  }
0xc5: {  	_ =	sfence.sel $0xFFFF  }
0xc6: {  	[dreg:$0x0] =	wrdreg $0xFFFFFFFF;
	(pc) =	sbr.abs _section_cstart, $3  }
0xc7: {  	[dreg:$0x1] =	wrdreg $0xFFFFFFFF  }
0xc8: {  	_ =	task.clear_ibuf [dreg:s8], $0x2FFFF;
	_ =	strace $0x9FFFFFFF  }
0xc9: {  	(tm) =	ssettm $0x7FFFFFFF  }
tec
execute0_lowered:
.L_overlay_start_1:
0x0: {  	(tag) =	ssettag $0x1  }
0x1: {  	s1 =	rddreg [dreg:$0x0]  }
0x2: {  	s4 =	rddreg [dreg:$0x1]  }
0x3: {  	s6 =	rddreg [dreg:$0x2]  }
0x4: {  	s0 =	rddreg [dreg:$0x3]  }
0x5: {  	s5 =	srdreg.scid;
	s2 =	stileid.u32  }
0x6: {  	s3 =	simm.s32 $0x0;
	s10 =	simm.s32 $0x2100;
	s11 =	simm.s32 $0x0  }
0x7: {  	s5 =	sand.u32 $0x1, s5;
	s7 =	sshll.u32 s2, $0x1;
	[smem:$0x7FF] =	sst s3  }
0x8: {  	s4 =	sadd.s32 $0x1200, s4;
	s8 =	ssub.s32 $0x2, s5;
	s5 =	sor.u32 s5, s7  }
0x9: {  	_ =	strace $0x80000047;
	s31 =	sshrl.u32 s8, $0x1;
	s9 =	smul.u32 $0x3200, s5  }
0xa: {  	s5 =	smul.u32 $0x28000, s5;
	s7 =	ssub.s32 s8, s31;
	s8 =	simm.s32 $0x2000  }
0xb: {  	v0 =	vimm.s32 $0x0;
	s6 =	sadd.s32 s6, s9;
	s7 =	smax.u32 s7, $0x1;
	s9 =	simm.s32 $0x1  }
.LBB2_1:
0xc: {  	[tilespmem:s8], [sflag:$0x1] =	stream.linear.gather [hbm4b:s4+s3], $0x100, $0x38;
	[tilespmem:$0x1B100] =	vst v63  }
0xd: {  	_ =	swait.ge [sflag:s9], $0x100  }
0xe: {  	[sflag:s9] =	ssyncset.done $0x0  }
0xf: {  	s12 =	simm.s32 $0x0;
	[sflag:s9] =	ssyncadd.s32 $0xFFFFFF00  }
.LBB2_2:
0x10: {  	s13 =	sshll.u32 s12, $0xD  }
0x11: {  	s13 =	sadd.s32 s5, s13  }
0x12: {  	s13 =	sshrl.u32 s13, $0x3  }
0x13: {  	s14 =	simm.s32 $0x0;
	s13 =	sadd.s32 s1, s13  }
0x14: {  	[tilespmem:s14], [sflag:$0x1] =	stream.linear.gather [hbm4b:s13+s14], $0x2000, $0x38;
	[tilespmem:$0x1B100] =	vst v63  }
0x15: {  	_ =	swait.ge [sflag:s9], $0x2000  }
0x16: {  	s16 =	sand.u32 $0x70, s14;
	s15 =	sand.u32 $0xC00, s14;
	[sflag:s9] =	ssyncset.done $0x0  }
0x17: {  	s13 =	sor.u32 s16, s15;
	[sflag:s9] =	ssyncadd.s32 $0xFFFFE000  }
0x18: {  	v1 =	vld [tilespmem:s13+$0x0]  }
0x19: {  	v2 =	vld [tilespmem:s13+$0x80];
	_ =	sdelay $0x1  }
0x1a: {  	v3 =	vld [tilespmem:s13+$0x100];
	_ =	sdelay $0x1  }
0x1b: {  	v4 =	vld [tilespmem:s13+$0x180]  }
0x1c: {  	vm0 =	vgt.f32 v2, v1  }
0x1d: {  	v5 =	vld [tilespmem:s13+$0x200];
	v1 =	vsel vm0, v2, v1  }
0x1e: {  	vm1 =	vgt.f32 v3, v1  }
0x1f: {  	v2 =	vld [tilespmem:s13+$0x280];
	v1 =	vsel vm1, v3, v1  }
0x20: {  	vm2 =	vgt.f32 v4, v1  }
0x21: {  	s14 =	sor.u32 s14, s14;
	v3 =	vld [tilespmem:s13+$0x300];
	v1 =	vsel vm2, v4, v1  }
0x22: {  	s14 =	sor.u32 $0x380, s14;
	vm3 =	vgt.f32 v5, v1  }
0x23: {  	v4 =	vld [tilespmem:s14+$0x0];
	v1 =	vsel vm3, v5, v1  }
0x24: {  	vm4 =	vgt.f32 v2, v1  }
0x25: {  	v5 =	vld [tilespmem:s13+$0x1000];
	v1 =	vsel vm4, v2, v1  }
0x26: {  	vm5 =	vgt.f32 v3, v1  }
0x27: {  	v2 =	vld [tilespmem:s13+$0x1080];
	v1 =	vsel vm5, v3, v1  }
0x28: {  	vm6 =	vgt.f32 v4, v1  }
0x29: {  	v3 =	vld [tilespmem:s13+$0x1100];
	v1 =	vsel vm6, v4, v1  }
0x2a: {  	vm7 =	vgt.f32 v5, v1  }
0x2b: {  	v6 =	vsel vm0, $0xA, v0;
	v4 =	vld [tilespmem:s13+$0x1180];
	v1 =	vsel vm7, v5, v1  }
0x2c: {  	v5 =	vsel vm1, $0x14, v6;
	vm9 =	vgt.f32 v2, v1  }
0x2d: {  	v6 =	vld [tilespmem:s13+$0x1200];
	v5 =	vsel vm2, $0x1E, v5;
	v1 =	vsel vm9, v2, v1  }
0x2e: {  	v2 =	vsel vm3, $0x28, v5;
	vm10 =	vgt.f32 v3, v1  }
0x2f: {  	v5 =	vld [tilespmem:s13+$0x1280];
	v2 =	vsel vm4, $0x32, v2;
	v1 =	vsel vm10, v3, v1  }
0x30: {  	v2 =	vsel vm5, $0x3C, v2;
	vm11 =	vgt.f32 v4, v1  }
0x31: {  	v3 =	vld [tilespmem:s13+$0x1300];
	v2 =	vsel vm6, $0x46, v2;
	v1 =	vsel vm11, v4, v1  }
0x32: {  	v2 =	vsel vm7, $0x50, v2;
	vm12 =	vgt.f32 v6, v1  }
0x33: {  	v4 =	vld [tilespmem:s13+$0x1380];
	v2 =	vsel vm9, $0x5A, v2;
	v1 =	vsel vm12, v6, v1  }
0x34: {  	v2 =	vsel vm10, $0x64, v2;
	vm13 =	vgt.f32 v5, v1  }
0x35: {  	v2 =	vsel vm11, $0x6E, v2;
	v1 =	vsel vm13, v5, v1  }
0x36: {  	v2 =	vsel vm12, $0x78, v2;
	vm14 =	vgt.f32 v3, v1  }
0x37: {  	v2 =	vsel vm13, $0x82, v2;
	v1 =	vsel vm14, v3, v1  }
0x38: {  	v2 =	vsel vm14, $0x8C, v2;
	vm15 =	vgt.f32 v4, v1  }
0x39: {  	v10 =	vsel vm15, $0x96, v2  }
0x3a: {  	s17 =	sshll.u32 s12, $0x9;
	s18 =	sshll.u32 s12, $0x7  }
0x3b: {  	s15 =	sand.u32 $0x380, s18;
	s14 =	sand.u32 $0x3000, s17  }
0x3c: {  	s14 =	sor.u32 s15, s14  }
0x3d: {  	s15 =	sadd.s32 $0x2100, s14  }
0x3e: {  	v1 =	vmov s15;
	v2 =	vld.idx.msk [tilespmem:v10+s8+$0x0], $0xffff  }
0x3f: {  	s19 =	sadd.s32 $0x14, s12;
	v3 =	vadd.s32 $0x1, v10  }
0x40: {  	s16 =	sshll.u32 s19, $0x9;
	s15 =	sshll.u32 s19, $0x7  }
0x41: {  	s16 =	sand.u32 $0x7000, s16;
	s15 =	sand.u32 $0x380, s15  }
0x42: {  	s15 =	sor.u32 s15, s16  }
0x43: {  	s15 =	sadd.s32 $0x2100, s15;
	[tilespmem:v1+s13+$0x0 ss:$0x1] =	vst.idx.msk $0xffff, v2  }
0x44: {  	v2 =	vmov s15;
	v3 =	vld.idx.msk [tilespmem:v3+s8+$0x0], $0xffff  }
0x45: {  	v4 =	vadd.s32 $0x2, v10;
	_ =	sdelay $0x3  }
0x46: {  	s20 =	sadd.s32 $0x7100, s14;
	[tilespmem:v2+s13+$0x0 ss:$0x1] =	vst.idx.msk $0xffff, v3  }
0x47: {  	v3 =	vmov s20;
	v4 =	vld.idx.msk [tilespmem:v4+s8+$0x0], $0xffff  }
0x48: {  	s21 =	sadd.s32 $0x3C, s12;
	v5 =	vadd.s32 $0x3, v10  }
0x49: {  	s22 =	sshll.u32 s21, $0x9;
	s15 =	sshll.u32 s21, $0x7  }
0x4a: {  	s16 =	sand.u32 $0xF000, s22;
	s15 =	sand.u32 $0x380, s15  }
0x4b: {  	s15 =	sor.u32 s15, s16  }
0x4c: {  	s15 =	sadd.s32 $0x2100, s15;
	[tilespmem:v3+s13+$0x0 ss:$0x1] =	vst.idx.msk $0xffff, v4  }
0x4d: {  	v4 =	vmov s15;
	v5 =	vld.idx.msk [tilespmem:v5+s8+$0x0], $0xffff  }
0x4e: {  	v6 =	vadd.s32 $0x4, v10;
	_ =	sdelay $0x3  }
0x4f: {  	s23 =	sadd.s32 $0xC100, s14;
	[tilespmem:v4+s13+$0x0 ss:$0x1] =	vst.idx.msk $0xffff, v5  }
0x50: {  	v5 =	vmov s23;
	v6 =	vld.idx.msk [tilespmem:v6+s8+$0x0], $0xffff  }
0x51: {  	s24 =	sadd.s32 $0x64, s12;
	v7 =	vadd.s32 $0x5, v10  }
0x52: {  	s25 =	sshll.u32 s24, $0x9;
	s15 =	sshll.u32 s24, $0x7  }
0x53: {  	s16 =	sand.u32 $0x1F000, s25;
	s15 =	sand.u32 $0x380, s15  }
0x54: {  	s15 =	sor.u32 s15, s16  }
0x55: {  	s15 =	sadd.s32 $0x2100, s15;
	[tilespmem:v5+s13+$0x0 ss:$0x1] =	vst.idx.msk $0xffff, v6  }
0x56: {  	v6 =	vmov s15;
	v7 =	vld.idx.msk [tilespmem:v7+s8+$0x0], $0xffff  }
0x57: {  	v8 =	vadd.s32 $0x6, v10;
	_ =	sdelay $0x3  }
0x58: {  	s26 =	sadd.s32 $0x11100, s14;
	[tilespmem:v6+s13+$0x0 ss:$0x1] =	vst.idx.msk $0xffff, v7  }
0x59: {  	v7 =	vmov s26;
	v8 =	vld.idx.msk [tilespmem:v8+s8+$0x0], $0xffff  }
0x5a: {  	s28 =	sadd.s32 $0x8C, s12;
	v9 =	vadd.s32 $0x7, v10  }
0x5b: {  	s29 =	sshll.u32 s28, $0x9;
	s15 =	sshll.u32 s28, $0x7  }
0x5c: {  	s16 =	sand.u32 $0x17000, s29;
	s15 =	sand.u32 $0x380, s15  }
0x5d: {  	s15 =	sor.u32 s15, s16  }
0x5e: {  	s15 =	sadd.s32 $0x2100, s15;
	[tilespmem:v7+s13+$0x0 ss:$0x1] =	vst.idx.msk $0xffff, v8  }
0x5f: {  	v8 =	vmov s15;
	v9 =	vld.idx.msk [tilespmem:v9+s8+$0x0], $0xffff  }
0x60: {  	v11 =	vadd.s32 $0x8, v10;
	_ =	sdelay $0x3  }
0x61: {  	s14 =	sadd.s32 $0x16100, s14;
	[tilespmem:v8+s13+$0x0 ss:$0x1] =	vst.idx.msk $0xffff, v9  }
0x62: {  	v9 =	vmov s14;
	v11 =	vld.idx.msk [tilespmem:v11+s8+$0x0], $0xffff  }
0x63: {  	s30 =	sadd.s32 $0xB4, s12;
	v12 =	vadd.s32 $0x9, v10  }
0x64: {  	s31 =	sshll.u32 s30, $0x9;
	s14 =	sshll.u32 s30, $0x7  }
0x65: {  	s15 =	sand.u32 $0x1F000, s31;
	s14 =	sand.u32 $0x380, s14  }
0x66: {  	s14 =	sor.u32 s14, s15  }
0x67: {  	s15 =	sadd.s32 $0x2100, s14;
	[tilespmem:v9+s13+$0x0 ss:$0x1] =	vst.idx.msk $0xffff, v11  }
0x68: {  	v10 =	vmov s15;
	v11 =	vld.idx.msk [tilespmem:v12+s8+$0x0], $0xffff  }
0x69: {  	s14 =	simm.s32 $0x10  }
0x6a: {  	s18 =	simm.s32 $0x20;
	s16 =	sand.u32 $0x70, s14;
	s15 =	simm.s32 $0x80  }
.LBB2_3:
0x6b: {  	s19 =	sand.u32 $0x70, s18  }
0x6c: {  	s20 =	sand.u32 $0xC00, s15;
	s21 =	smov.u32 s18;
	s17 =	sadd.s32 $0x10, s18  }
0x6d: {  	p0 =	sne.s32 s18, $0x1F0;
	[tilespmem:v10+s13+$0x0 ss:$0x1] =	vst.idx.msk $0xffff, v11;
	s13 =	sor.u32 s16, s20;
	s16 =	smov.u32 s19  }
0x6e: {  	v11 =	vld [tilespmem:s13+$0x0]  }
0x6f: {  	v12 =	vld [tilespmem:s13+$0x80]  }
0x70: {  	v13 =	vld [tilespmem:s13+$0x100];
	_ =	sdelay $0x1  }
0x71: {  	v14 =	vld [tilespmem:s13+$0x180];
	_ =	sdelay $0x1  }
0x72: {  	vm0 =	vgt.f32 v12, v11;
	v15 =	vld [tilespmem:s13+$0x200]  }
0x73: {  	v11 =	vsel vm0, v12, v11  }
0x74: {  	vm1 =	vgt.f32 v13, v11;
	v12 =	vld [tilespmem:s13+$0x280]  }
0x75: {  	v11 =	vsel vm1, v13, v11  }
0x76: {  	s18 =	sor.u32 s15, s14;
	s14 =	smov.u32 s21;
	vm2 =	vgt.f32 v14, v11;
	v13 =	vld [tilespmem:s13+$0x300]  }
0x77: {  	s18 =	sor.u32 $0x380, s18;
	v11 =	vsel vm2, v14, v11  }
0x78: {  	vm3 =	vgt.f32 v15, v11;
	v14 =	vld [tilespmem:s18+$0x0]  }
0x79: {  	v11 =	vsel vm3, v15, v11  }
0x7a: {  	vm4 =	vgt.f32 v12, v11;
	v15 =	vld [tilespmem:s13+$0x1000]  }
0x7b: {  	v11 =	vsel vm4, v12, v11  }
0x7c: {  	vm5 =	vgt.f32 v13, v11;
	v12 =	vld [tilespmem:s13+$0x1080]  }
0x7d: {  	v11 =	vsel vm5, v13, v11  }
0x7e: {  	vm6 =	vgt.f32 v14, v11;
	v13 =	vld [tilespmem:s13+$0x1100]  }
0x7f: {  	v11 =	vsel vm6, v14, v11  }
0x80: {  	v16 =	vsel vm0, $0xA, v0;
	vm7 =	vgt.f32 v15, v11;
	v14 =	vld [tilespmem:s13+$0x1180]  }
0x81: {  	v11 =	vsel vm7, v15, v11;
	v15 =	vsel vm1, $0x14, v16  }
0x82: {  	vm0 =	vgt.f32 v12, v11;
	v16 =	vld [tilespmem:s13+$0x1200];
	v15 =	vsel vm2, $0x1E, v15  }
0x83: {  	v11 =	vsel vm0, v12, v11;
	v12 =	vsel vm3, $0x28, v15  }
0x84: {  	vm1 =	vgt.f32 v13, v11;
	v15 =	vld [tilespmem:s13+$0x1280];
	v12 =	vsel vm4, $0x32, v12  }
0x85: {  	v11 =	vsel vm1, v13, v11;
	v12 =	vsel vm5, $0x3C, v12  }
0x86: {  	vm2 =	vgt.f32 v14, v11;
	v13 =	vld [tilespmem:s13+$0x1300];
	v12 =	vsel vm6, $0x46, v12  }
0x87: {  	v11 =	vsel vm2, v14, v11;
	v12 =	vsel vm7, $0x50, v12  }
0x88: {  	vm3 =	vgt.f32 v16, v11;
	v14 =	vld [tilespmem:s13+$0x1380];
	v12 =	vsel vm0, $0x5A, v12  }
0x89: {  	v11 =	vsel vm3, v16, v11;
	v12 =	vsel vm1, $0x64, v12  }
0x8a: {  	vm0 =	vgt.f32 v15, v11;
	v12 =	vsel vm2, $0x6E, v12  }
0x8b: {  	v11 =	vsel vm0, v15, v11;
	v12 =	vsel vm3, $0x78, v12  }
0x8c: {  	vm1 =	vgt.f32 v13, v11;
	v12 =	vsel vm0, $0x82, v12  }
0x8d: {  	v11 =	vsel vm1, v13, v11;
	v12 =	vsel vm1, $0x8C, v12  }
0x8e: {  	vm0 =	vgt.f32 v14, v11  }
0x8f: {  	v11 =	vsel vm0, $0x96, v12;
	_ =	sdelay $0x4  }
0x90: {  	v12 =	vld.idx.msk [tilespmem:v11+s8+$0x0], $0xffff  }
0x91: {  	v13 =	vadd.s32 $0x1, v11;
	_ =	sdelay $0x4  }
0x92: {  	[tilespmem:v1+s13+$0x0 ss:$0x1] =	vst.idx.msk $0xffff, v12  }
0x93: {  	v12 =	vld.idx.msk [tilespmem:v13+s8+$0x0], $0xffff  }
0x94: {  	v13 =	vadd.s32 $0x2, v11;
	_ =	sdelay $0x4  }
0x95: {  	[tilespmem:v2+s13+$0x0 ss:$0x1] =	vst.idx.msk $0xffff, v12  }
0x96: {  	v12 =	vld.idx.msk [tilespmem:v13+s8+$0x0], $0xffff  }
0x97: {  	v13 =	vadd.s32 $0x3, v11;
	_ =	sdelay $0x4  }
0x98: {  	[tilespmem:v3+s13+$0x0 ss:$0x1] =	vst.idx.msk $0xffff, v12  }
0x99: {  	v12 =	vld.idx.msk [tilespmem:v13+s8+$0x0], $0xffff  }
0x9a: {  	v13 =	vadd.s32 $0x4, v11;
	_ =	sdelay $0x4  }
0x9b: {  	[tilespmem:v4+s13+$0x0 ss:$0x1] =	vst.idx.msk $0xffff, v12  }
0x9c: {  	v12 =	vld.idx.msk [tilespmem:v13+s8+$0x0], $0xffff  }
0x9d: {  	v13 =	vadd.s32 $0x5, v11;
	_ =	sdelay $0x4  }
0x9e: {  	[tilespmem:v5+s13+$0x0 ss:$0x1] =	vst.idx.msk $0xffff, v12  }
0x9f: {  	v12 =	vld.idx.msk [tilespmem:v13+s8+$0x0], $0xffff  }
0xa0: {  	v13 =	vadd.s32 $0x6, v11;
	_ =	sdelay $0x4  }
0xa1: {  	[tilespmem:v6+s13+$0x0 ss:$0x1] =	vst.idx.msk $0xffff, v12  }
0xa2: {  	v12 =	vld.idx.msk [tilespmem:v13+s8+$0x0], $0xffff  }
0xa3: {  	v13 =	vadd.s32 $0x7, v11;
	_ =	sdelay $0x4  }
0xa4: {  	[tilespmem:v7+s13+$0x0 ss:$0x1] =	vst.idx.msk $0xffff, v12  }
0xa5: {  	v12 =	vld.idx.msk [tilespmem:v13+s8+$0x0], $0xffff  }
0xa6: {  	v13 =	vadd.s32 $0x8, v11;
	_ =	sdelay $0x4  }
0xa7: {  	[tilespmem:v8+s13+$0x0 ss:$0x1] =	vst.idx.msk $0xffff, v12  }
0xa8: {  	v12 =	vld.idx.msk [tilespmem:v13+s8+$0x0], $0xffff  }
0xa9: {  	v11 =	vadd.s32 $0x9, v11;
	_ =	sdelay $0x4  }
0xaa: {  	[tilespmem:v9+s13+$0x0 ss:$0x1] =	vst.idx.msk $0xffff, v12  }
.Ltmp0:
0xab: {  	v11 =	vld.idx.msk [tilespmem:v11+s8+$0x0], $0xffff;
	(pc) =	sbr.rel @p0 .LBB2_3-.Ltmp0, $2  }
0xac: {  	_ =	sdelay $0x2  }
0xad: {  	s15 =	sadd.s32 $0x80, s15;
	s18 =	smov.u32 s17  }
0xae: {  	_ =	sdelay $0x2  }
0xaf: {  	s17 =	sand.u32 $0xC00, s15  }
0xb0: {  	[tilespmem:v10+s13+$0x0 ss:$0x1] =	vst.idx.msk $0xffff, v11;
	s16 =	sor.u32 s16, s17  }
0xb1: {  	v11 =	vld [tilespmem:s16+$0x0]  }
0xb2: {  	v12 =	vld [tilespmem:s16+$0x80];
	_ =	sdelay $0x1  }
0xb3: {  	v13 =	vld [tilespmem:s16+$0x100];
	_ =	sdelay $0x1  }
0xb4: {  	v14 =	vld [tilespmem:s16+$0x180]  }
0xb5: {  	vm0 =	vgt.f32 v12, v11  }
0xb6: {  	v15 =	vld [tilespmem:s16+$0x200];
	v11 =	vsel vm0, v12, v11  }
0xb7: {  	vm1 =	vgt.f32 v13, v11  }
0xb8: {  	v49 =	vld [tilespmem:s16+$0x280];
	v11 =	vsel vm1, v13, v11  }
0xb9: {  	vm2 =	vgt.f32 v14, v11  }
0xba: {  	s31 =	sor.u32 s15, s14;
	v50 =	vld [tilespmem:s16+$0x300];
	v11 =	vsel vm2, v14, v11  }
0xbb: {  	s13 =	sor.u32 $0x380, s31;
	vm3 =	vgt.f32 v15, v11  }
0xbc: {  	v51 =	vld [tilespmem:s13+$0x0];
	v11 =	vsel vm3, v15, v11  }
0xbd: {  	vm4 =	vgt.f32 v49, v11  }
0xbe: {  	v52 =	vld [tilespmem:s16+$0x1000];
	v11 =	vsel vm4, v49, v11  }
0xbf: {  	vm5 =	vgt.f32 v50, v11  }
0xc0: {  	v53 =	vld [tilespmem:s16+$0x1080];
	v11 =	vsel vm5, v50, v11  }
0xc1: {  	vm6 =	vgt.f32 v51, v11  }
0xc2: {  	v54 =	vld [tilespmem:s16+$0x1100];
	v11 =	vsel vm6, v51, v11  }
0xc3: {  	vm7 =	vgt.f32 v52, v11  }
0xc4: {  	v55 =	vld [tilespmem:s16+$0x1180];
	v16 =	vsel vm0, $0xA, v0;
	v11 =	vsel vm7, v52, v11  }
0xc5: {  	v56 =	vsel vm1, $0x14, v16;
	vm9 =	vgt.f32 v53, v11  }
0xc6: {  	v57 =	vld [tilespmem:s16+$0x1200];
	v15 =	vsel vm2, $0x1E, v56;
	v11 =	vsel vm9, v53, v11  }
0xc7: {  	v58 =	vsel vm3, $0x28, v15;
	vm10 =	vgt.f32 v54, v11  }
0xc8: {  	v59 =	vld [tilespmem:s16+$0x1280];
	v12 =	vsel vm4, $0x32, v58;
	v11 =	vsel vm10, v54, v11  }
0xc9: {  	v12 =	vsel vm5, $0x3C, v12;
	vm11 =	vgt.f32 v55, v11  }
0xca: {  	v60 =	vld [tilespmem:s16+$0x1300];
	v12 =	vsel vm6, $0x46, v12;
	v11 =	vsel vm11, v55, v11  }
0xcb: {  	v12 =	vsel vm7, $0x50, v12;
	vm12 =	vgt.f32 v57, v11  }
0xcc: {  	v61 =	vld [tilespmem:s16+$0x1380];
	v12 =	vsel vm9, $0x5A, v12;
	v11 =	vsel vm12, v57, v11  }
0xcd: {  	v12 =	vsel vm10, $0x64, v12;
	vm13 =	vgt.f32 v59, v11  }
0xce: {  	v12 =	vsel vm11, $0x6E, v12;
	v11 =	vsel vm13, v59, v11  }
0xcf: {  	v12 =	vsel vm12, $0x78, v12;
	vm14 =	vgt.f32 v60, v11  }
0xd0: {  	v12 =	vsel vm13, $0x82, v12;
	v11 =	vsel vm14, v60, v11  }
0xd1: {  	v12 =	vsel vm14, $0x8C, v12;
	vm15 =	vgt.f32 v61, v11  }
0xd2: {  	v11 =	vsel vm15, $0x96, v12;
	_ =	sdelay $0x4  }
0xd3: {  	v12 =	vld.idx.msk [tilespmem:v11+s8+$0x0], $0xffff  }
0xd4: {  	v62 =	vadd.s32 $0x1, v11;
	_ =	sdelay $0x3  }
0xd5: {  	[tilespmem:v1+s16+$0x0 ss:$0x1] =	vst.idx.msk $0xffff, v12  }
0xd6: {  	v1 =	vld.idx.msk [tilespmem:v62+s8+$0x0], $0xffff  }
0xd7: {  	v63 =	vadd.s32 $0x2, v11;
	_ =	sdelay $0x3  }
0xd8: {  	[tilespmem:v2+s16+$0x0 ss:$0x1] =	vst.idx.msk $0xffff, v1  }
0xd9: {  	v1 =	vld.idx.msk [tilespmem:v63+s8+$0x0], $0xffff  }
0xda: {  	v2 =	vadd.s32 $0x3, v11;
	_ =	sdelay $0x3  }
0xdb: {  	[tilespmem:v3+s16+$0x0 ss:$0x1] =	vst.idx.msk $0xffff, v1  }
0xdc: {  	v1 =	vld.idx.msk [tilespmem:v2+s8+$0x0], $0xffff  }
0xdd: {  	v2 =	vadd.s32 $0x4, v11;
	_ =	sdelay $0x3  }
0xde: {  	[tilespmem:v4+s16+$0x0 ss:$0x1] =	vst.idx.msk $0xffff, v1  }
0xdf: {  	v1 =	vld.idx.msk [tilespmem:v2+s8+$0x0], $0xffff  }
0xe0: {  	v2 =	vadd.s32 $0x5, v11;
	_ =	sdelay $0x3  }
0xe1: {  	[tilespmem:v5+s16+$0x0 ss:$0x1] =	vst.idx.msk $0xffff, v1  }
0xe2: {  	v1 =	vld.idx.msk [tilespmem:v2+s8+$0x0], $0xffff  }
0xe3: {  	v2 =	vadd.s32 $0x6, v11;
	_ =	sdelay $0x3  }
0xe4: {  	[tilespmem:v6+s16+$0x0 ss:$0x1] =	vst.idx.msk $0xffff, v1  }
0xe5: {  	v1 =	vld.idx.msk [tilespmem:v2+s8+$0x0], $0xffff  }
0xe6: {  	v2 =	vadd.s32 $0x7, v11;
	_ =	sdelay $0x3  }
0xe7: {  	[tilespmem:v7+s16+$0x0 ss:$0x1] =	vst.idx.msk $0xffff, v1  }
0xe8: {  	v1 =	vld.idx.msk [tilespmem:v2+s8+$0x0], $0xffff  }
0xe9: {  	v2 =	vadd.s32 $0x8, v11;
	_ =	sdelay $0x3  }
0xea: {  	[tilespmem:v8+s16+$0x0 ss:$0x1] =	vst.idx.msk $0xffff, v1  }
0xeb: {  	v1 =	vld.idx.msk [tilespmem:v2+s8+$0x0], $0xffff  }
0xec: {  	v2 =	vadd.s32 $0x9, v11;
	_ =	sdelay $0x3  }
0xed: {  	s12 =	sadd.s32 $0x1, s12;
	[tilespmem:v9+s16+$0x0 ss:$0x1] =	vst.idx.msk $0xffff, v1  }
0xee: {  	p0 =	sne.s32 s12, $0x14;
	v1 =	vld.idx.msk [tilespmem:v2+s8+$0x0], $0xffff  }
.Ltmp1:
0xef: {  	_ = 	snop;
	(pc) =	sbr.rel @p0 .LBB2_2-.Ltmp1, $2  }
0xf0: {  	_ =	sdelay $0x2  }
0xf1: {  	[tilespmem:v10+s16+$0x0 ss:$0x1] =	vst.idx.msk $0xffff, v1  }
0xf2: {  	s11 =	sadd.s32 $0x1, s11  }
0xf3: {  	p0 =	sne.s32 s11, s7  }
.Ltmp2:
0xf4: {  	_ = 	snop;
	(pc) =	sbr.rel @p0 .LBB2_1-.Ltmp2, $4  }
0xf5: {  	[hbm4b:s6+s3] =	stream.linear.scatter [tilespmem:s10], [sflag:$0x1], $0x19000, $0x38;
	[tilespmem:$0x1B100] =	vst v63  }
0xf6: {  	_ =	swait.ge [sflag:s9], $0x19000  }
0xf7: {  	[sflag:s9] =	ssyncset.done $0x0  }
0xf8: {  	[sflag:s9] =	ssyncadd.s32 $0xFFFE7000  }
0xf9: {  	_ =	sfence.sel $0x180000  }
0xfa: {  	[bflag:$0x0] =	sbarrier.arrive $0xFFFF  }
0xfb: {  	p0 =	sne.s32 s2, $0x0;
	_ =	strace $0x90000047  }
0xfc: {  	s0 =	sadd.s32 @!p0 $0x100000, s0;
	[bflag:$0x2] =	sbarrier.arrive $0xFFFF  }
0xfd: {  	[sflag:s0] =	ssyncadd.tile.s32 @!p0 $0x1;
	_ =	shalt  }
.Lfunc_end2:
_tile_overlayer_lowered:
.L_overlay_start_2:
0xfe: {  	(tag) =	ssettag $0x2  }
0xff: {  	s0 =	rddreg [dreg:$0x0];
	s2 =	stileid.u32  }
0x100: {  	s1 =	rddreg [dreg:$0x1];
	p0 =	sne.s32 s2, $0x0  }
0x101: {  	s3 =	rddreg [dreg:$0x2];
	[bflag:$0x3] =	sbarrier.arrive $0xFFFF;
	s2 =	simm.s32 @!p0 $0x1C01  }
0x102: {  	[timem:s3], [sflag:s2] =	dma.local @!p0 [hbm:s0], s1  }
0x103: {  	s0 =	simm.s32 @!p0 $0x1  }
0x104: {  	_ =	swait.ge @!p0 [sflag:s0], s1  }
0x105: {  	s1 =	ssub.s32 @!p0 $0x0, s1;
	[sflag:s0] =	ssyncset.done @!p0 $0x0  }
0x106: {  	[sflag:s0] =	ssyncadd.s32 @!p0 s1  }
0x107: {  	[bflag:$0x3] =	sbarrier.arrive $0xFFFF  }
0x108: {  	_ =	shalt  }

</sc_bundles>
